<compile_context>
chip_gen: v7x
topology: tpu7x:2x2x1
jax: 0.10.2.dev20260603
libtpu: 0.0.44.dev20260713+nightly
codegen_flags: <defaults>
</compile_context>

<pallas_src>
import functools

import jax
import jax.numpy as jnp
import numpy as np
from jax import lax
from jax.experimental import pallas as pl
from jax.experimental.pallas import tpu as pltpu
from jax.experimental.pallas import tpu_sc as plsc

N = 10000
E = 320000
D = 128
H = 4
MA = 4
HD = 16
W = MA + HD
FW = H * W
VW = H * HD
SW = 128

NC, NS = 2, 16
NW = NC * NS
EPW = E // NW
CH = 80
NCHUNK = EPW // CH
RB = 4
SRB = 3
NP = 10240
RPT = NP // NS

NT = 1000
TE = 2000


def _slrelu(x, a=0.2):
    return 0.5 * (1.0 + a) * x + 0.5 * (1.0 - a) * x * (2.0 * jax.nn.sigmoid(x) - 1.0)


def _nodeproj_body(x_ref, ws_ref, bs_ref, wd_ref, ms_ref, md_ref):
    x = x_ref[...]
    ms_ref[...] = jnp.dot(x, ws_ref[...], preferred_element_type=jnp.float32) + bs_ref[...]
    md_ref[...] = jnp.dot(x, wd_ref[...], preferred_element_type=jnp.float32)


def _nodeproj(x, w_src, b_src, w_dst, interpret=False):
    full = lambda i: (0, 0)
    return pl.pallas_call(
        _nodeproj_body,
        grid=(N // NT,),
        in_specs=[
            pl.BlockSpec((NT, D), lambda i: (i, 0)),
            pl.BlockSpec((D, D), full),
            pl.BlockSpec((1, D), full),
            pl.BlockSpec((D, D), full),
        ],
        out_specs=[
            pl.BlockSpec((NT, D), lambda i: (i, 0)),
            pl.BlockSpec((NT, D), lambda i: (i, 0)),
        ],
        out_shape=[
            jax.ShapeDtypeStruct((N, D), jnp.float32),
            jax.ShapeDtypeStruct((N, D), jnp.float32),
        ],
        interpret=interpret,
    )(x, w_src, b_src, w_dst)


def _gather_body(ms_hbm, md_hbm, esrc_hbm, edst_hbm, gm_hbm,
                 is_v, id_v, bs_v, bd_v, sgs, sgd, sw):
    w = lax.axis_index("s") * NC + lax.axis_index("c")
    base = w * EPW
    pltpu.sync_copy(esrc_hbm.at[w], is_v)
    pltpu.sync_copy(edst_hbm.at[w], id_v)
    for r in range(RB):
        pltpu.async_copy(ms_hbm.at[is_v.at[r]], bs_v.at[r], sgs)
        pltpu.async_copy(md_hbm.at[id_v.at[r]], bd_v.at[r], sgd)

    def body(i, carry):
        @pl.when(i >= 2)
        def _():
            rw = lax.rem(i + RB - 2, RB)
            pltpu.make_async_copy(
                bs_v.at[rw], gm_hbm.at[pl.ds(base + (i - 2) * CH, CH)], sw).wait()

            @pl.when(i + RB - 2 < NCHUNK)
            def _():
                pltpu.async_copy(ms_hbm.at[is_v.at[i + RB - 2]], bs_v.at[rw], sgs)
                pltpu.async_copy(md_hbm.at[id_v.at[i + RB - 2]], bd_v.at[rw], sgd)

        r = lax.rem(i, RB)
        pltpu.make_async_copy(ms_hbm.at[is_v.at[i]], bs_v.at[r], sgs).wait()
        pltpu.make_async_copy(md_hbm.at[id_v.at[i]], bd_v.at[r], sgd).wait()

        @plsc.parallel_loop(0, CH, step=1, unroll=4)
        def _(row):
            for k in range(D // 16):
                sl = pl.ds(k * 16, 16)
                bs_v[r, row, sl] = bs_v[r, row, sl] + bd_v[r, row, sl]
        pltpu.async_copy(bs_v.at[r], gm_hbm.at[pl.ds(base + i * CH, CH)], sw)
        return carry

    lax.fori_loop(0, NCHUNK, body, 0)
    for t in (NCHUNK - 2, NCHUNK - 1):
        pltpu.make_async_copy(
            bs_v.at[lax.rem(t, RB)], gm_hbm.at[pl.ds(base + t * CH, CH)], sw).wait()


def _gather(msrc, mdst, edge_src, edge_dst, interpret=False):
    mesh = plsc.VectorSubcoreMesh(core_axis_name="c", subcore_axis_name="s")
    k = functools.partial(
        pl.kernel,
        out_type=jax.ShapeDtypeStruct((E, D), jnp.float32),
        mesh=mesh,
        scratch_types=[
            pltpu.VMEM((NCHUNK, CH), jnp.int32),
            pltpu.VMEM((NCHUNK, CH), jnp.int32),
            pltpu.VMEM((RB, CH, D), jnp.float32),
            pltpu.VMEM((RB, CH, D), jnp.float32),
            pltpu.SemaphoreType.DMA,
            pltpu.SemaphoreType.DMA,
            pltpu.SemaphoreType.DMA,
        ],
        interpret=interpret,
    )(_gather_body)
    return k(msrc, mdst, edge_src.reshape(NW, NCHUNK, CH),
             edge_dst.reshape(NW, NCHUNK, CH))


def _edge_body(gm_ref, es_ref, ea_ref, w1_ref, b1_ref, w2_ref, b2_ref,
               w3_ref, we_ref, wsep_ref, bsep_ref, g_ref, s1_ref, rep_ref,
               p64_ref, p4_ref, c_ref):
    f32 = jnp.float32
    t = jax.nn.silu(jnp.dot(es_ref[...], w1_ref[...], preferred_element_type=f32) + b1_ref[...])
    t = jax.nn.silu(jnp.dot(t, w2_ref[...], preferred_element_type=f32) + b2_ref[...])
    t = jnp.dot(t, w3_ref[...], preferred_element_type=f32)
    m = gm_ref[...] * t + jnp.dot(ea_ref[...], we_ref[...], preferred_element_type=f32)
    feat = jnp.dot(m, wsep_ref[...], preferred_element_type=f32) + bsep_ref[...]
    al = jnp.dot(_slrelu(feat), g_ref[...], preferred_element_type=f32)
    ex = jnp.exp(al)
    v = jnp.dot(feat, s1_ref[...], preferred_element_type=f32)
    vw = v * jnp.dot(ex, rep_ref[...], preferred_element_type=f32)
    c_ref[...] = (jnp.dot(vw, p64_ref[...], preferred_element_type=f32)
                  + jnp.dot(ex, p4_ref[...], preferred_element_type=f32))


def _edge(gsum, es, ea, w1, b1, w2, b2, w3, we, wsep, bsep, g, s1,
          rep, p64, p4, interpret=False):
    full = lambda i: (0, 0)
    ei = lambda i: (i, 0)
    return pl.pallas_call(
        _edge_body,
        grid=(E // TE,),
        in_specs=[
            pl.BlockSpec((TE, D), ei),
            pl.BlockSpec((TE, 32), ei),
            pl.BlockSpec((TE, 16), ei),
            pl.BlockSpec((32, 64), full),
            pl.BlockSpec((1, 64), full),
            pl.BlockSpec((64, 64), full),
            pl.BlockSpec((1, 64), full),
            pl.BlockSpec((64, D), full),
            pl.BlockSpec((16, D), full),
            pl.BlockSpec((D, FW), full),
            pl.BlockSpec((1, FW), full),
            pl.BlockSpec((FW, H), full),
            pl.BlockSpec((FW, VW), full),
            pl.BlockSpec((H, VW), full),
            pl.BlockSpec((VW, SW), full),
            pl.BlockSpec((H, SW), full),
        ],
        out_specs=pl.BlockSpec((TE, SW), ei),
        out_shape=jax.ShapeDtypeStruct((E, SW), jnp.float32),
        interpret=interpret,
    )(gsum, es, ea, w1, b1, w2, b2, w3, we, wsep, bsep, g, s1,
      rep, p64, p4)


def _scatter_body(c_hbm, edst_hbm, z_hbm, out_hbm, id_v, rb_v, accum, sg):
    c = lax.axis_index("c")
    s = lax.axis_index("s")
    w = s * NC + c
    pltpu.sync_copy(z_hbm.at[pl.ds(s * RPT, RPT)], accum.at[pl.ds(s * RPT, RPT)])
    pltpu.sync_copy(edst_hbm.at[w], id_v)
    base = w * EPW
    for r in range(SRB):
        pltpu.async_copy(c_hbm.at[pl.ds(base + r * CH, CH)], rb_v.at[r], sg)
    plsc.subcore_barrier()

    def body(i, carry):
        r = lax.rem(i, SRB)
        pltpu.make_async_copy(c_hbm.at[pl.ds(base + i * CH, CH)], rb_v.at[r], sg).wait()
        pltpu.sync_copy(rb_v.at[r], accum.at[id_v.at[i]], add=True)

        @pl.when(i + SRB < NCHUNK)
        def _():
            pltpu.async_copy(c_hbm.at[pl.ds(base + (i + SRB) * CH, CH)], rb_v.at[r], sg)

        return carry

    lax.fori_loop(0, NCHUNK, body, 0)
    plsc.subcore_barrier()
    pltpu.sync_copy(accum.at[pl.ds(s * RPT, RPT)], out_hbm.at[c, pl.ds(s * RPT, RPT)])


def _scatter(cmat, edge_dst, zeros, interpret=False):
    mesh = plsc.VectorSubcoreMesh(core_axis_name="c", subcore_axis_name="s")
    k = functools.partial(
        pl.kernel,
        out_type=jax.ShapeDtypeStruct((NC, NP, SW), jnp.float32),
        mesh=mesh,
        scratch_types=[
            pltpu.VMEM((NCHUNK, CH), jnp.int32),
            pltpu.VMEM((SRB, CH, SW), jnp.float32),
            pltpu.VMEM_SHARED((NP, SW), jnp.float32),
            pltpu.SemaphoreType.DMA,
        ],
        interpret=interpret,
    )(_scatter_body)
    return k(cmat, edge_dst.reshape(NW, NCHUNK, CH), zeros)


def _outproj_body(u0_ref, u1_ref, sv_ref, sd_ref, wp_ref, bp_ref, o_ref):
    f32 = jnp.float32
    u = u0_ref[...] + u1_ref[...]
    vn = jnp.dot(u, sv_ref[...], preferred_element_type=f32)
    den = jnp.dot(u, sd_ref[...], preferred_element_type=f32)
    agg = vn / (den + 1e-16)
    o_ref[...] = jnp.dot(agg, wp_ref[...], preferred_element_type=f32) + bp_ref[...]


def _outproj(u0, u1, sv, sd, w_proj, b_proj, interpret=False):
    full = lambda i: (0, 0)
    ni = lambda i: (i, 0)
    return pl.pallas_call(
        _outproj_body,
        grid=(N // NT,),
        in_specs=[
            pl.BlockSpec((NT, SW), ni),
            pl.BlockSpec((NT, SW), ni),
            pl.BlockSpec((SW, VW), full),
            pl.BlockSpec((SW, VW), full),
            pl.BlockSpec((VW, D), full),
            pl.BlockSpec((1, D), full),
        ],
        out_specs=pl.BlockSpec((NT, D), ni),
        out_shape=jax.ShapeDtypeStruct((N, D), jnp.float32),
        interpret=interpret,
    )(u0, u1, sv, sd, w_proj, b_proj)


def _static_mats():
    s1 = np.zeros((FW, VW), np.float32)
    rep = np.zeros((H, VW), np.float32)
    p64 = np.zeros((VW, SW), np.float32)
    p4 = np.zeros((H, SW), np.float32)
    sv = np.zeros((SW, VW), np.float32)
    sd = np.zeros((SW, VW), np.float32)
    for h in range(H):
        for j in range(HD):
            s1[W * h + MA + j, HD * h + j] = 1.0
            rep[h, HD * h + j] = 1.0
            sd[VW + h, HD * h + j] = 1.0
        p4[h, VW + h] = 1.0
    for j in range(VW):
        p64[j, j] = 1.0
        sv[j, j] = 1.0
    return (jnp.asarray(s1), jnp.asarray(rep), jnp.asarray(p64),
            jnp.asarray(p4), jnp.asarray(sv), jnp.asarray(sd))


_G_ROWS = np.array([W * h + k for h in range(H) for k in range(MA)], np.int32)
_G_COLS = np.array([h for h in range(H) for _ in range(MA)], np.int32)


def kernel(node_input, node_attr, edge_src, edge_dst, edge_attr, edge_scalars,
           batch, W_src, b_src, W_dst, rad_W1, rad_b1, rad_W2, rad_b2, rad_W3,
           W_edge, W_sep, b_sep, alpha_dot, W_proj, b_proj):
    s1, rep, p64, p4, sv, sd = _static_mats()
    g = jnp.zeros((FW, H), jnp.float32).at[_G_ROWS, _G_COLS].set(
        alpha_dot[0].reshape(H * MA))

    msrc, mdst = _nodeproj(node_input, W_src, b_src.reshape(1, D), W_dst)
    gsum = _gather(msrc, mdst, edge_src, edge_dst)
    cmat = _edge(gsum, edge_scalars, edge_attr,
                 rad_W1, rad_b1.reshape(1, -1), rad_W2, rad_b2.reshape(1, -1),
                 rad_W3, W_edge, W_sep, b_sep.reshape(1, FW), g, s1,
                 rep, p64, p4)
    parts = _scatter(cmat, edge_dst, jnp.zeros((NP, SW), jnp.float32))
    return _outproj(parts[0, :N], parts[1, :N], sv, sd, W_proj,
                    b_proj.reshape(1, D))

# --- scband reference (transcript-rebuilt; emitter-appended) ---
"""Pipeline reference for scband-graph-attention-26319559590120 (READ-ONLY COPY).

The authoritative reference and input builder live on the scoring server;
editing this copy changes nothing except your own understanding.
"""

import jax, jax.numpy as jnp
import numpy as np

N = 10000
E = 320000
D = 128
H = 4
MA = 4
HD = 16
DE = 16
DS = 32
FC = 64
D_OUT = 128


def _glorot(key, shape):
    lim = np.sqrt(6.0 / (shape[0] + shape[-1]))
    return jax.random.uniform(key, shape, minval=-lim, maxval=lim, dtype=jnp.float32)


def setup_inputs(seed: int = 0):
    key = jax.random.key(seed)
    ks = jax.random.split(key, 24)
    inp = {}
    inp["node_input"] = jax.random.normal(ks[0], (N, D), dtype=jnp.float32)
    inp["node_attr"] = jnp.ones((N, 1), dtype=jnp.float32)
    inp["edge_src"] = jax.random.randint(ks[1], (E,), 0, N)
    inp["edge_dst"] = jnp.sort(jax.random.randint(ks[2], (E,), 0, N))
    inp["edge_attr"] = jax.random.normal(ks[3], (E, DE), dtype=jnp.float32)
    inp["edge_scalars"] = jax.random.uniform(ks[4], (E, DS), dtype=jnp.float32)
    inp["batch"] = jnp.zeros((N,), dtype=jnp.int32)
    inp["W_src"] = _glorot(ks[5], (D, D))
    inp["b_src"] = jnp.zeros((D,), dtype=jnp.float32)
    inp["W_dst"] = _glorot(ks[6], (D, D))
    inp["rad_W1"] = _glorot(ks[7], (DS, FC))
    inp["rad_b1"] = jnp.zeros((FC,), dtype=jnp.float32)
    inp["rad_W2"] = _glorot(ks[8], (FC, FC))
    inp["rad_b2"] = jnp.zeros((FC,), dtype=jnp.float32)
    inp["rad_W3"] = _glorot(ks[9], (FC, D))
    inp["W_edge"] = _glorot(ks[10], (DE, D))
    inp["W_sep"] = _glorot(ks[11], (D, H * (MA + HD)))
    inp["b_sep"] = jnp.zeros((H * (MA + HD),), dtype=jnp.float32)
    inp["alpha_dot"] = _glorot(ks[12], (1, H, MA))
    inp["W_proj"] = _glorot(ks[13], (H * HD, D_OUT))
    inp["b_proj"] = jnp.zeros((D_OUT,), dtype=jnp.float32)
    return inp


def _smooth_leaky_relu(x, a=0.2):
    return 0.5 * (1.0 + a) * x + 0.5 * (1.0 - a) * x * (2.0 * jax.nn.sigmoid(x) - 1.0)


def reference(node_input, node_attr, edge_src, edge_dst, edge_attr, edge_scalars, batch,
              W_src, b_src, W_dst, rad_W1, rad_b1, rad_W2, rad_b2, rad_W3,
              W_edge, W_sep, b_sep, alpha_dot, W_proj, b_proj):
    num_nodes = node_input.shape[0]
    # merge_src / merge_dst linear projections
    msrc = node_input @ W_src + b_src
    mdst = node_input @ W_dst
    # gather to edges
    message = msrc[edge_src] + mdst[edge_dst]
    # SeparableFCTP: radial MLP produces per-edge tensor-product weights,
    # which modulate the message; edge_attr (spherical harmonics) is mixed in linearly.
    w = jax.nn.silu(edge_scalars @ rad_W1 + rad_b1)
    w = jax.nn.silu(w @ rad_W2 + rad_b2)
    w = w @ rad_W3
    message = message * w + edge_attr @ W_edge
    # linear to (alpha + value) channels, then Vec2AttnHeads reshape
    feat = (message @ W_sep + b_sep).reshape(-1, H, MA + HD)
    alpha = feat[:, :, :MA]
    value = feat[:, :, MA:]
    # alpha activation (SmoothLeakyReLU) and inner product with alpha_dot
    alpha = _smooth_leaky_relu(alpha)
    alpha = jnp.einsum('bik,aik->bi', alpha, alpha_dot)
    # segment softmax over edge_dst
    amax = jax.lax.stop_gradient(jax.ops.segment_max(alpha, edge_dst, num_segments=num_nodes))
    amax = jnp.where(jnp.isfinite(amax), amax, 0.0)
    ex = jnp.exp(alpha - amax[edge_dst])
    denom = jax.ops.segment_sum(ex, edge_dst, num_segments=num_nodes)
    attn_w = ex / (denom[edge_dst] + 1e-16)
    # message = alpha * value, scatter-add to dst nodes (AttnHeads2Vec flatten)
    attn = value * attn_w[:, :, None]
    agg = jax.ops.segment_sum(attn.reshape(-1, H * HD), edge_dst, num_segments=num_nodes)
    # output projection (dropouts are identity in eval mode)
    node_output = agg @ W_proj + b_proj
    return node_output

if __name__ == "__main__":
    import jax
    _d = setup_inputs()
    print(jax.jit(kernel)(*tuple(_d.values())))

</pallas_src>

<mosaic_0001>
#map = affine_map<(d0, d1) -> (0, 0)>
#map1 = affine_map<(d0, d1) -> (0, 0, 0)>
module attributes {stable_mosaic.version = 14 : i64} {
  func.func @_scatter_body(%arg0: i32, %arg1: i32, %arg2: memref<320000x128xf32, #tpu.memory_space<hbm>>, %arg3: memref<32x125x80xi32, #tpu.memory_space<hbm>>, %arg4: memref<10240x128xf32, #tpu.memory_space<hbm>>, %arg5: memref<2x10240x128xf32, #tpu.memory_space<hbm>>, %arg6: memref<125x80xi32, #tpu.memory_space<vmem>>, %arg7: memref<3x80x128xf32, #tpu.memory_space<vmem>>, %arg8: memref<10240x128xf32, #tpu.memory_space<vmem_shared>>, %arg9: memref<!tpu.dma_semaphore, #tpu.memory_space<semaphore_mem>>) attributes {dimension_semantics = [#tpu.dimension_semantics<core_parallel>, #tpu.dimension_semantics<subcore_parallel>], iteration_bounds = array<i64: 2, 16>, scalar_prefetch = 0 : i64, scratch_operands = 4 : i64, tpu.core_type = #tpu.core_type<sc_vector_subcore>, window_params = [{transform_indices = #map}, {transform_indices = #map1}, {transform_indices = #map}, {transform_indices = #map1}]} {
    %mul3A = arith.constant 2 : i32
    %mul3A_0 = arith.muli %arg1, %mul3A : i32
    %add3A = arith.addi %mul3A_0, %arg0 : i32
    %mul3A_1 = arith.constant 640 : i32
    %mul3A_2 = arith.muli %arg1, %mul3A_1 : i32
    %mul3A_3 = arith.constant 640 : i32
    %mul3A_4 = arith.muli %arg1, %mul3A_3 : i32
    "tpu.region"() ({
      %run_scoped3A = tpu.sem_alloc : memref<!tpu.dma_semaphore, #tpu.memory_space<semaphore_mem>>
      %dma_start3A_61 = arith.constant 0 : i32
      %dma_start3A_62 = tpu.memref_slice %arg8[%mul3A_4, %dma_start3A_61] : memref<10240x128xf32, #tpu.memory_space<vmem_shared>> -> memref<640x128xf32, #tpu.memory_space<vmem_shared>>
      %dma_start3A_63 = arith.constant 0 : i32
      %dma_start3A_64 = tpu.memref_slice %arg4[%mul3A_2, %dma_start3A_63] : memref<10240x128xf32, #tpu.memory_space<hbm>> -> memref<640x128xf32, #tpu.memory_space<hbm>>
      tpu.enqueue_dma source(%dma_start3A_64 : memref<640x128xf32, #tpu.memory_space<hbm>>) target(%dma_start3A_62 : memref<640x128xf32, #tpu.memory_space<vmem_shared>>) target_semaphore(%run_scoped3A : memref<!tpu.dma_semaphore, #tpu.memory_space<semaphore_mem>>)
      %dma_wait3A = arith.constant 0 : i32
      %dma_wait3A_65 = tpu.memref_slice %arg8[%mul3A_4, %dma_wait3A] : memref<10240x128xf32, #tpu.memory_space<vmem_shared>> -> memref<640x128xf32, #tpu.memory_space<vmem_shared>>
      %dma_wait3A_66 = arith.constant 0 : i32
      %dma_wait3A_67 = tpu.memref_slice %arg4[%mul3A_2, %dma_wait3A_66] : memref<10240x128xf32, #tpu.memory_space<hbm>> -> memref<640x128xf32, #tpu.memory_space<hbm>>
      tpu.wait_dma2 semaphore(%run_scoped3A : memref<!tpu.dma_semaphore, #tpu.memory_space<semaphore_mem>>) src(%dma_wait3A_67 : memref<640x128xf32, #tpu.memory_space<hbm>>) dst(%dma_wait3A_65 : memref<640x128xf32, #tpu.memory_space<vmem_shared>>)
      tpu.yield
    }) : () -> ()
    "tpu.region"() ({
      %run_scoped3A = tpu.sem_alloc : memref<!tpu.dma_semaphore, #tpu.memory_space<semaphore_mem>>
      %dma_start3A_61 = arith.constant 0 : i32
      %dma_start3A_62 = arith.constant 0 : i32
      %dma_start3A_63 = tpu.memref_slice %arg3[%add3A, %dma_start3A_61, %dma_start3A_62] : memref<32x125x80xi32, #tpu.memory_space<hbm>> -> memref<1x125x80xi32, #tpu.memory_space<hbm>>
      %dma_start3A_64 = tpu.memref_squeeze %dma_start3A_63 : memref<1x125x80xi32, #tpu.memory_space<hbm>> -> memref<125x80xi32, #tpu.memory_space<hbm>>
      %dma_start3A_65 = arith.constant 0 : i32
      %dma_start3A_66 = arith.constant 0 : i32
      %dma_start3A_67 = tpu.memref_slice %arg3[%add3A, %dma_start3A_65, %dma_start3A_66] : memref<32x125x80xi32, #tpu.memory_space<hbm>> -> memref<1x125x80xi32, #tpu.memory_space<hbm>>
      %dma_start3A_68 = tpu.memref_squeeze %dma_start3A_67 : memref<1x125x80xi32, #tpu.memory_space<hbm>> -> memref<125x80xi32, #tpu.memory_space<hbm>>
      tpu.enqueue_dma source(%dma_start3A_68 : memref<125x80xi32, #tpu.memory_space<hbm>>) target(%arg6 : memref<125x80xi32, #tpu.memory_space<vmem>>) target_semaphore(%run_scoped3A : memref<!tpu.dma_semaphore, #tpu.memory_space<semaphore_mem>>)
      %dma_wait3A = arith.constant 0 : i32
      %dma_wait3A_69 = arith.constant 0 : i32
      %dma_wait3A_70 = tpu.memref_slice %arg3[%add3A, %dma_wait3A, %dma_wait3A_69] : memref<32x125x80xi32, #tpu.memory_space<hbm>> -> memref<1x125x80xi32, #tpu.memory_space<hbm>>
      %dma_wait3A_71 = tpu.memref_squeeze %dma_wait3A_70 : memref<1x125x80xi32, #tpu.memory_space<hbm>> -> memref<125x80xi32, #tpu.memory_space<hbm>>
      %dma_wait3A_72 = arith.constant 0 : i32
      %dma_wait3A_73 = arith.constant 0 : i32
      %dma_wait3A_74 = tpu.memref_slice %arg3[%add3A, %dma_wait3A_72, %dma_wait3A_73] : memref<32x125x80xi32, #tpu.memory_space<hbm>> -> memref<1x125x80xi32, #tpu.memory_space<hbm>>
      %dma_wait3A_75 = tpu.memref_squeeze %dma_wait3A_74 : memref<1x125x80xi32, #tpu.memory_space<hbm>> -> memref<125x80xi32, #tpu.memory_space<hbm>>
      tpu.wait_dma2 semaphore(%run_scoped3A : memref<!tpu.dma_semaphore, #tpu.memory_space<semaphore_mem>>) src(%dma_wait3A_75 : memref<125x80xi32, #tpu.memory_space<hbm>>) dst(%arg6 : memref<125x80xi32, #tpu.memory_space<vmem>>)
      tpu.yield
    }) : () -> ()
    %mul3A_5 = arith.constant 10000 : i32
    %mul3A_6 = arith.muli %add3A, %mul3A_5 : i32
    %add3A_7 = arith.constant 0 : i32
    %add3A_8 = arith.addi %mul3A_6, %add3A_7 : i32
    %dma_start3A = arith.constant 0 : i32
    %dma_start3A_9 = arith.constant 0 : i32
    %dma_start3A_10 = arith.constant 0 : i32
    %dma_start3A_11 = tpu.memref_slice %arg7[%dma_start3A, %dma_start3A_9, %dma_start3A_10] : memref<3x80x128xf32, #tpu.memory_space<vmem>> -> memref<1x80x128xf32, #tpu.memory_space<vmem>>
    %dma_start3A_12 = tpu.memref_squeeze %dma_start3A_11 : memref<1x80x128xf32, #tpu.memory_space<vmem>> -> memref<80x128xf32, #tpu.memory_space<vmem>>
    %dma_start3A_13 = arith.constant 0 : i32
    %dma_start3A_14 = tpu.memref_slice %arg2[%add3A_8, %dma_start3A_13] : memref<320000x128xf32, #tpu.memory_space<hbm>> -> memref<80x128xf32, #tpu.memory_space<hbm>>
    %dma_start3A_15 = arith.constant 0 : i32
    %dma_start3A_16 = arith.constant 0 : i32
    %dma_start3A_17 = tpu.memref_slice %arg7[%dma_start3A, %dma_start3A_15, %dma_start3A_16] : memref<3x80x128xf32, #tpu.memory_space<vmem>> -> memref<1x80x128xf32, #tpu.memory_space<vmem>>
    %dma_start3A_18 = tpu.memref_squeeze %dma_start3A_17 : memref<1x80x128xf32, #tpu.memory_space<vmem>> -> memref<80x128xf32, #tpu.memory_space<vmem>>
    %dma_start3A_19 = arith.constant 0 : i32
    %dma_start3A_20 = tpu.memref_slice %arg2[%add3A_8, %dma_start3A_19] : memref<320000x128xf32, #tpu.memory_space<hbm>> -> memref<80x128xf32, #tpu.memory_space<hbm>>
    tpu.enqueue_dma source(%dma_start3A_20 : memref<80x128xf32, #tpu.memory_space<hbm>>) target(%dma_start3A_18 : memref<80x128xf32, #tpu.memory_space<vmem>>) target_semaphore(%arg9 : memref<!tpu.dma_semaphore, #tpu.memory_space<semaphore_mem>>)
    %add3A_21 = arith.constant 80 : i32
    %add3A_22 = arith.addi %mul3A_6, %add3A_21 : i32
    %dma_start3A_23 = arith.constant 1 : i32
    %dma_start3A_24 = arith.constant 0 : i32
    %dma_start3A_25 = arith.constant 0 : i32
    %dma_start3A_26 = tpu.memref_slice %arg7[%dma_start3A_23, %dma_start3A_24, %dma_start3A_25] : memref<3x80x128xf32, #tpu.memory_space<vmem>> -> memref<1x80x128xf32, #tpu.memory_space<vmem>>
    %dma_start3A_27 = tpu.memref_squeeze %dma_start3A_26 : memref<1x80x128xf32, #tpu.memory_space<vmem>> -> memref<80x128xf32, #tpu.memory_space<vmem>>
    %dma_start3A_28 = arith.constant 0 : i32
    %dma_start3A_29 = tpu.memref_slice %arg2[%add3A_22, %dma_start3A_28] : memref<320000x128xf32, #tpu.memory_space<hbm>> -> memref<80x128xf32, #tpu.memory_space<hbm>>
    %dma_start3A_30 = arith.constant 0 : i32
    %dma_start3A_31 = arith.constant 0 : i32
    %dma_start3A_32 = tpu.memref_slice %arg7[%dma_start3A_23, %dma_start3A_30, %dma_start3A_31] : memref<3x80x128xf32, #tpu.memory_space<vmem>> -> memref<1x80x128xf32, #tpu.memory_space<vmem>>
    %dma_start3A_33 = tpu.memref_squeeze %dma_start3A_32 : memref<1x80x128xf32, #tpu.memory_space<vmem>> -> memref<80x128xf32, #tpu.memory_space<vmem>>
    %dma_start3A_34 = arith.constant 0 : i32
    %dma_start3A_35 = tpu.memref_slice %arg2[%add3A_22, %dma_start3A_34] : memref<320000x128xf32, #tpu.memory_space<hbm>> -> memref<80x128xf32, #tpu.memory_space<hbm>>
    tpu.enqueue_dma source(%dma_start3A_35 : memref<80x128xf32, #tpu.memory_space<hbm>>) target(%dma_start3A_33 : memref<80x128xf32, #tpu.memory_space<vmem>>) target_semaphore(%arg9 : memref<!tpu.dma_semaphore, #tpu.memory_space<semaphore_mem>>)
    %add3A_36 = arith.constant 160 : i32
    %add3A_37 = arith.addi %mul3A_6, %add3A_36 : i32
    %dma_start3A_38 = arith.constant 2 : i32
    %dma_start3A_39 = arith.constant 0 : i32
    %dma_start3A_40 = arith.constant 0 : i32
    %dma_start3A_41 = tpu.memref_slice %arg7[%dma_start3A_38, %dma_start3A_39, %dma_start3A_40] : memref<3x80x128xf32, #tpu.memory_space<vmem>> -> memref<1x80x128xf32, #tpu.memory_space<vmem>>
    %dma_start3A_42 = tpu.memref_squeeze %dma_start3A_41 : memref<1x80x128xf32, #tpu.memory_space<vmem>> -> memref<80x128xf32, #tpu.memory_space<vmem>>
    %dma_start3A_43 = arith.constant 0 : i32
    %dma_start3A_44 = tpu.memref_slice %arg2[%add3A_37, %dma_start3A_43] : memref<320000x128xf32, #tpu.memory_space<hbm>> -> memref<80x128xf32, #tpu.memory_space<hbm>>
    %dma_start3A_45 = arith.constant 0 : i32
    %dma_start3A_46 = arith.constant 0 : i32
    %dma_start3A_47 = tpu.memref_slice %arg7[%dma_start3A_38, %dma_start3A_45, %dma_start3A_46] : memref<3x80x128xf32, #tpu.memory_space<vmem>> -> memref<1x80x128xf32, #tpu.memory_space<vmem>>
    %dma_start3A_48 = tpu.memref_squeeze %dma_start3A_47 : memref<1x80x128xf32, #tpu.memory_space<vmem>> -> memref<80x128xf32, #tpu.memory_space<vmem>>
    %dma_start3A_49 = arith.constant 0 : i32
    %dma_start3A_50 = tpu.memref_slice %arg2[%add3A_37, %dma_start3A_49] : memref<320000x128xf32, #tpu.memory_space<hbm>> -> memref<80x128xf32, #tpu.memory_space<hbm>>
    tpu.enqueue_dma source(%dma_start3A_50 : memref<80x128xf32, #tpu.memory_space<hbm>>) target(%dma_start3A_48 : memref<80x128xf32, #tpu.memory_space<vmem>>) target_semaphore(%arg9 : memref<!tpu.dma_semaphore, #tpu.memory_space<semaphore_mem>>)
    %barrier3A = arith.constant 0 : index
    tpu.barrier barrier_id(%barrier3A)
    %scan3A = arith.constant 0 : i32
    %scan3A_51 = arith.constant 0 : i32
    %scan3A_52 = arith.constant 125 : i32
    %scan3A_53 = arith.addi %scan3A_51, %scan3A_52 : i32
    %scan3A_54 = arith.constant 1 : i32
    scf.for %scan3A_61 = %scan3A_51 to %scan3A_53 step %scan3A_54  : i32 {
      %rem3A = arith.constant 3 : i32
      %rem3A_62 = arith.remsi %scan3A_61, %rem3A : i32
      %mul3A_63 = arith.constant 80 : i32
      %mul3A_64 = arith.muli %scan3A_61, %mul3A_63 : i32
      %add3A_65 = arith.addi %mul3A_6, %mul3A_64 : i32
      %dma_wait3A = arith.constant 0 : i32
      %dma_wait3A_66 = arith.constant 0 : i32
      %dma_wait3A_67 = tpu.memref_slice %arg7[%rem3A_62, %dma_wait3A, %dma_wait3A_66] : memref<3x80x128xf32, #tpu.memory_space<vmem>> -> memref<1x80x128xf32, #tpu.memory_space<vmem>>
      %dma_wait3A_68 = tpu.memref_squeeze %dma_wait3A_67 : memref<1x80x128xf32, #tpu.memory_space<vmem>> -> memref<80x128xf32, #tpu.memory_space<vmem>>
      %dma_wait3A_69 = arith.constant 0 : i32
      %dma_wait3A_70 = tpu.memref_slice %arg2[%add3A_65, %dma_wait3A_69] : memref<320000x128xf32, #tpu.memory_space<hbm>> -> memref<80x128xf32, #tpu.memory_space<hbm>>
      %dma_wait3A_71 = arith.constant 0 : i32
      %dma_wait3A_72 = arith.constant 0 : i32
      %dma_wait3A_73 = tpu.memref_slice %arg7[%rem3A_62, %dma_wait3A_71, %dma_wait3A_72] : memref<3x80x128xf32, #tpu.memory_space<vmem>> -> memref<1x80x128xf32, #tpu.memory_space<vmem>>
      %dma_wait3A_74 = tpu.memref_squeeze %dma_wait3A_73 : memref<1x80x128xf32, #tpu.memory_space<vmem>> -> memref<80x128xf32, #tpu.memory_space<vmem>>
      %dma_wait3A_75 = arith.constant 0 : i32
      %dma_wait3A_76 = tpu.memref_slice %arg2[%add3A_65, %dma_wait3A_75] : memref<320000x128xf32, #tpu.memory_space<hbm>> -> memref<80x128xf32, #tpu.memory_space<hbm>>
      tpu.wait_dma2 semaphore(%arg9 : memref<!tpu.dma_semaphore, #tpu.memory_space<semaphore_mem>>) src(%dma_wait3A_76 : memref<80x128xf32, #tpu.memory_space<hbm>>) dst(%dma_wait3A_74 : memref<80x128xf32, #tpu.memory_space<vmem>>)
      "tpu.region"() ({
        %run_scoped3A = tpu.sem_alloc : memref<!tpu.dma_semaphore, #tpu.memory_space<semaphore_mem>>
        %dma_start3A_81 = arith.constant 0 : i32
        %dma_start3A_82 = arith.constant 0 : i32
        %dma_start3A_83 = tpu.memref_slice %arg7[%rem3A_62, %dma_start3A_81, %dma_start3A_82] : memref<3x80x128xf32, #tpu.memory_space<vmem>> -> memref<1x80x128xf32, #tpu.memory_space<vmem>>
        %dma_start3A_84 = tpu.memref_squeeze %dma_start3A_83 : memref<1x80x128xf32, #tpu.memory_space<vmem>> -> memref<80x128xf32, #tpu.memory_space<vmem>>
        %dma_start3A_85 = arith.constant 0 : i32
        %dma_start3A_86 = tpu.memref_slice %arg6[%scan3A_61, %dma_start3A_85] : memref<125x80xi32, #tpu.memory_space<vmem>> -> memref<1x80xi32, #tpu.memory_space<vmem>>
        %dma_start3A_87 = tpu.memref_squeeze %dma_start3A_86 : memref<1x80xi32, #tpu.memory_space<vmem>> -> memref<80xi32, #tpu.memory_space<vmem>>
        %dma_start3A_88 = arith.constant 0 : i32
        %dma_start3A_89 = arith.constant 0 : i32
        %dma_start3A_90 = tpu.memref_slice %arg8[%dma_start3A_88, %dma_start3A_89] : memref<10240x128xf32, #tpu.memory_space<vmem_shared>> -> memref<10240x128xf32, #tpu.memory_space<vmem_shared>>
        tpu.enqueue_indirect_dma source(%dma_start3A_84 : memref<80x128xf32, #tpu.memory_space<vmem>>) target(%dma_start3A_90 : memref<10240x128xf32, #tpu.memory_space<vmem_shared>>) offsets(%dma_start3A_87 : memref<80xi32, #tpu.memory_space<vmem>>) semaphore(%run_scoped3A : memref<!tpu.dma_semaphore, #tpu.memory_space<semaphore_mem>>) {add = true}
        %dma_wait3A_91 = arith.constant 0 : i32
        %dma_wait3A_92 = arith.constant 0 : i32
        %dma_wait3A_93 = tpu.memref_slice %arg7[%rem3A_62, %dma_wait3A_91, %dma_wait3A_92] : memref<3x80x128xf32, #tpu.memory_space<vmem>> -> memref<1x80x128xf32, #tpu.memory_space<vmem>>
        %dma_wait3A_94 = tpu.memref_squeeze %dma_wait3A_93 : memref<1x80x128xf32, #tpu.memory_space<vmem>> -> memref<80x128xf32, #tpu.memory_space<vmem>>
        %dma_wait3A_95 = arith.constant 0 : i32
        %dma_wait3A_96 = tpu.memref_slice %arg6[%scan3A_61, %dma_wait3A_95] : memref<125x80xi32, #tpu.memory_space<vmem>> -> memref<1x80xi32, #tpu.memory_space<vmem>>
        %dma_wait3A_97 = tpu.memref_squeeze %dma_wait3A_96 : memref<1x80xi32, #tpu.memory_space<vmem>> -> memref<80xi32, #tpu.memory_space<vmem>>
        %dma_wait3A_98 = arith.constant 0 : i32
        %dma_wait3A_99 = arith.constant 0 : i32
        %dma_wait3A_100 = tpu.memref_slice %arg8[%dma_wait3A_98, %dma_wait3A_99] : memref<10240x128xf32, #tpu.memory_space<vmem_shared>> -> memref<10240x128xf32, #tpu.memory_space<vmem_shared>>
        tpu.wait_indirect_dma semaphore(%run_scoped3A : memref<!tpu.dma_semaphore, #tpu.memory_space<semaphore_mem>>) src(%dma_wait3A_94 : memref<80x128xf32, #tpu.memory_space<vmem>>) dst(%dma_wait3A_100 : memref<10240x128xf32, #tpu.memory_space<vmem_shared>>)
        tpu.yield
      }) : () -> ()
      %add3A_77 = arith.constant 3 : i32
      %add3A_78 = arith.addi %scan3A_61, %add3A_77 : i32
      %lt3A = arith.constant 125 : i32
      %lt3A_79 = arith.cmpi slt, %add3A_78, %lt3A : i32
      %convert_element_type3A = arith.extui %lt3A_79 : i1 to i32
      %cond3A = arith.constant 0 : i32
      %cond3A_80 = arith.cmpi ne, %convert_element_type3A, %cond3A : i32
      scf.if %cond3A_80 {
        %add3A_81 = arith.constant 3 : i32
        %add3A_82 = arith.addi %scan3A_61, %add3A_81 : i32
        %mul3A_83 = arith.constant 80 : i32
        %mul3A_84 = arith.muli %add3A_82, %mul3A_83 : i32
        %add3A_85 = arith.addi %mul3A_6, %mul3A_84 : i32
        %dma_start3A_86 = arith.constant 0 : i32
        %dma_start3A_87 = arith.constant 0 : i32
        %dma_start3A_88 = tpu.memref_slice %arg7[%rem3A_62, %dma_start3A_86, %dma_start3A_87] : memref<3x80x128xf32, #tpu.memory_space<vmem>> -> memref<1x80x128xf32, #tpu.memory_space<vmem>>
        %dma_start3A_89 = tpu.memref_squeeze %dma_start3A_88 : memref<1x80x128xf32, #tpu.memory_space<vmem>> -> memref<80x128xf32, #tpu.memory_space<vmem>>
        %dma_start3A_90 = arith.constant 0 : i32
        %dma_start3A_91 = tpu.memref_slice %arg2[%add3A_85, %dma_start3A_90] : memref<320000x128xf32, #tpu.memory_space<hbm>> -> memref<80x128xf32, #tpu.memory_space<hbm>>
        %dma_start3A_92 = arith.constant 0 : i32
        %dma_start3A_93 = arith.constant 0 : i32
        %dma_start3A_94 = tpu.memref_slice %arg7[%rem3A_62, %dma_start3A_92, %dma_start3A_93] : memref<3x80x128xf32, #tpu.memory_space<vmem>> -> memref<1x80x128xf32, #tpu.memory_space<vmem>>
        %dma_start3A_95 = tpu.memref_squeeze %dma_start3A_94 : memref<1x80x128xf32, #tpu.memory_space<vmem>> -> memref<80x128xf32, #tpu.memory_space<vmem>>
        %dma_start3A_96 = arith.constant 0 : i32
        %dma_start3A_97 = tpu.memref_slice %arg2[%add3A_85, %dma_start3A_96] : memref<320000x128xf32, #tpu.memory_space<hbm>> -> memref<80x128xf32, #tpu.memory_space<hbm>>
        tpu.enqueue_dma source(%dma_start3A_97 : memref<80x128xf32, #tpu.memory_space<hbm>>) target(%dma_start3A_95 : memref<80x128xf32, #tpu.memory_space<vmem>>) target_semaphore(%arg9 : memref<!tpu.dma_semaphore, #tpu.memory_space<semaphore_mem>>)
      } else {
      }
    }
    %scan3A_55 = arith.constant 125 : i32
    %barrier3A_56 = arith.constant 0 : index
    tpu.barrier barrier_id(%barrier3A_56)
    %mul3A_57 = arith.constant 640 : i32
    %mul3A_58 = arith.muli %arg1, %mul3A_57 : i32
    %mul3A_59 = arith.constant 640 : i32
    %mul3A_60 = arith.muli %arg1, %mul3A_59 : i32
    "tpu.region"() ({
      %run_scoped3A = tpu.sem_alloc : memref<!tpu.dma_semaphore, #tpu.memory_space<semaphore_mem>>
      %dma_start3A_61 = arith.constant 0 : i32
      %dma_start3A_62 = tpu.memref_slice %arg5[%arg0, %mul3A_60, %dma_start3A_61] : memref<2x10240x128xf32, #tpu.memory_space<hbm>> -> memref<1x640x128xf32, #tpu.memory_space<hbm>>
      %dma_start3A_63 = tpu.memref_squeeze %dma_start3A_62 : memref<1x640x128xf32, #tpu.memory_space<hbm>> -> memref<640x128xf32, #tpu.memory_space<hbm>>
      %dma_start3A_64 = arith.constant 0 : i32
      %dma_start3A_65 = tpu.memref_slice %arg8[%mul3A_58, %dma_start3A_64] : memref<10240x128xf32, #tpu.memory_space<vmem_shared>> -> memref<640x128xf32, #tpu.memory_space<vmem_shared>>
      tpu.enqueue_dma source(%dma_start3A_65 : memref<640x128xf32, #tpu.memory_space<vmem_shared>>) target(%dma_start3A_63 : memref<640x128xf32, #tpu.memory_space<hbm>>) target_semaphore(%run_scoped3A : memref<!tpu.dma_semaphore, #tpu.memory_space<semaphore_mem>>)
      %dma_wait3A = arith.constant 0 : i32
      %dma_wait3A_66 = tpu.memref_slice %arg5[%arg0, %mul3A_60, %dma_wait3A] : memref<2x10240x128xf32, #tpu.memory_space<hbm>> -> memref<1x640x128xf32, #tpu.memory_space<hbm>>
      %dma_wait3A_67 = tpu.memref_squeeze %dma_wait3A_66 : memref<1x640x128xf32, #tpu.memory_space<hbm>> -> memref<640x128xf32, #tpu.memory_space<hbm>>
      %dma_wait3A_68 = arith.constant 0 : i32
      %dma_wait3A_69 = tpu.memref_slice %arg8[%mul3A_58, %dma_wait3A_68] : memref<10240x128xf32, #tpu.memory_space<vmem_shared>> -> memref<640x128xf32, #tpu.memory_space<vmem_shared>>
      tpu.wait_dma2 semaphore(%run_scoped3A : memref<!tpu.dma_semaphore, #tpu.memory_space<semaphore_mem>>) src(%dma_wait3A_69 : memref<640x128xf32, #tpu.memory_space<vmem_shared>>) dst(%dma_wait3A_67 : memref<640x128xf32, #tpu.memory_space<hbm>>)
      tpu.yield
    }) : () -> ()
    return
  }
}

#map = affine_map<(d0, d1) -> (0, 0)>
#map1 = affine_map<(d0, d1) -> (0, 0, 0)>
module attributes {stable_mosaic.version = 14 : i64} {
  func.func @_gather_body(%arg0: i32, %arg1: i32, %arg2: memref<10000x128xf32, #tpu.memory_space<hbm>>, %arg3: memref<10000x128xf32, #tpu.memory_space<hbm>>, %arg4: memref<32x125x80xi32, #tpu.memory_space<hbm>>, %arg5: memref<32x125x80xi32, #tpu.memory_space<hbm>>, %arg6: memref<320000x128xf32, #tpu.memory_space<hbm>>, %arg7: memref<125x80xi32, #tpu.memory_space<vmem>>, %arg8: memref<125x80xi32, #tpu.memory_space<vmem>>, %arg9: memref<4x80x128xf32, #tpu.memory_space<vmem>>, %arg10: memref<4x80x128xf32, #tpu.memory_space<vmem>>, %arg11: memref<!tpu.dma_semaphore, #tpu.memory_space<semaphore_mem>>, %arg12: memref<!tpu.dma_semaphore, #tpu.memory_space<semaphore_mem>>, %arg13: memref<!tpu.dma_semaphore, #tpu.memory_space<semaphore_mem>>) attributes {dimension_semantics = [#tpu.dimension_semantics<core_parallel>, #tpu.dimension_semantics<subcore_parallel>], iteration_bounds = array<i64: 2, 16>, scalar_prefetch = 0 : i64, scratch_operands = 7 : i64, tpu.core_type = #tpu.core_type<sc_vector_subcore>, window_params = [{transform_indices = #map}, {transform_indices = #map}, {transform_indices = #map1}, {transform_indices = #map1}, {transform_indices = #map}]} {
    %mul3A = arith.constant 2 : i32
    %mul3A_0 = arith.muli %arg1, %mul3A : i32
    %add3A = arith.addi %mul3A_0, %arg0 : i32
    %mul3A_1 = arith.constant 10000 : i32
    %mul3A_2 = arith.muli %add3A, %mul3A_1 : i32
    "tpu.region"() ({
      %run_scoped3A = tpu.sem_alloc : memref<!tpu.dma_semaphore, #tpu.memory_space<semaphore_mem>>
      %dma_start3A_135 = arith.constant 0 : i32
      %dma_start3A_136 = arith.constant 0 : i32
      %dma_start3A_137 = tpu.memref_slice %arg4[%add3A, %dma_start3A_135, %dma_start3A_136] : memref<32x125x80xi32, #tpu.memory_space<hbm>> -> memref<1x125x80xi32, #tpu.memory_space<hbm>>
      %dma_start3A_138 = tpu.memref_squeeze %dma_start3A_137 : memref<1x125x80xi32, #tpu.memory_space<hbm>> -> memref<125x80xi32, #tpu.memory_space<hbm>>
      %dma_start3A_139 = arith.constant 0 : i32
      %dma_start3A_140 = arith.constant 0 : i32
      %dma_start3A_141 = tpu.memref_slice %arg4[%add3A, %dma_start3A_139, %dma_start3A_140] : memref<32x125x80xi32, #tpu.memory_space<hbm>> -> memref<1x125x80xi32, #tpu.memory_space<hbm>>
      %dma_start3A_142 = tpu.memref_squeeze %dma_start3A_141 : memref<1x125x80xi32, #tpu.memory_space<hbm>> -> memref<125x80xi32, #tpu.memory_space<hbm>>
      tpu.enqueue_dma source(%dma_start3A_142 : memref<125x80xi32, #tpu.memory_space<hbm>>) target(%arg7 : memref<125x80xi32, #tpu.memory_space<vmem>>) target_semaphore(%run_scoped3A : memref<!tpu.dma_semaphore, #tpu.memory_space<semaphore_mem>>)
      %dma_wait3A_143 = arith.constant 0 : i32
      %dma_wait3A_144 = arith.constant 0 : i32
      %dma_wait3A_145 = tpu.memref_slice %arg4[%add3A, %dma_wait3A_143, %dma_wait3A_144] : memref<32x125x80xi32, #tpu.memory_space<hbm>> -> memref<1x125x80xi32, #tpu.memory_space<hbm>>
      %dma_wait3A_146 = tpu.memref_squeeze %dma_wait3A_145 : memref<1x125x80xi32, #tpu.memory_space<hbm>> -> memref<125x80xi32, #tpu.memory_space<hbm>>
      %dma_wait3A_147 = arith.constant 0 : i32
      %dma_wait3A_148 = arith.constant 0 : i32
      %dma_wait3A_149 = tpu.memref_slice %arg4[%add3A, %dma_wait3A_147, %dma_wait3A_148] : memref<32x125x80xi32, #tpu.memory_space<hbm>> -> memref<1x125x80xi32, #tpu.memory_space<hbm>>
      %dma_wait3A_150 = tpu.memref_squeeze %dma_wait3A_149 : memref<1x125x80xi32, #tpu.memory_space<hbm>> -> memref<125x80xi32, #tpu.memory_space<hbm>>
      tpu.wait_dma2 semaphore(%run_scoped3A : memref<!tpu.dma_semaphore, #tpu.memory_space<semaphore_mem>>) src(%dma_wait3A_150 : memref<125x80xi32, #tpu.memory_space<hbm>>) dst(%arg7 : memref<125x80xi32, #tpu.memory_space<vmem>>)
      tpu.yield
    }) : () -> ()
    "tpu.region"() ({
      %run_scoped3A = tpu.sem_alloc : memref<!tpu.dma_semaphore, #tpu.memory_space<semaphore_mem>>
      %dma_start3A_135 = arith.constant 0 : i32
      %dma_start3A_136 = arith.constant 0 : i32
      %dma_start3A_137 = tpu.memref_slice %arg5[%add3A, %dma_start3A_135, %dma_start3A_136] : memref<32x125x80xi32, #tpu.memory_space<hbm>> -> memref<1x125x80xi32, #tpu.memory_space<hbm>>
      %dma_start3A_138 = tpu.memref_squeeze %dma_start3A_137 : memref<1x125x80xi32, #tpu.memory_space<hbm>> -> memref<125x80xi32, #tpu.memory_space<hbm>>
      %dma_start3A_139 = arith.constant 0 : i32
      %dma_start3A_140 = arith.constant 0 : i32
      %dma_start3A_141 = tpu.memref_slice %arg5[%add3A, %dma_start3A_139, %dma_start3A_140] : memref<32x125x80xi32, #tpu.memory_space<hbm>> -> memref<1x125x80xi32, #tpu.memory_space<hbm>>
      %dma_start3A_142 = tpu.memref_squeeze %dma_start3A_141 : memref<1x125x80xi32, #tpu.memory_space<hbm>> -> memref<125x80xi32, #tpu.memory_space<hbm>>
      tpu.enqueue_dma source(%dma_start3A_142 : memref<125x80xi32, #tpu.memory_space<hbm>>) target(%arg8 : memref<125x80xi32, #tpu.memory_space<vmem>>) target_semaphore(%run_scoped3A : memref<!tpu.dma_semaphore, #tpu.memory_space<semaphore_mem>>)
      %dma_wait3A_143 = arith.constant 0 : i32
      %dma_wait3A_144 = arith.constant 0 : i32
      %dma_wait3A_145 = tpu.memref_slice %arg5[%add3A, %dma_wait3A_143, %dma_wait3A_144] : memref<32x125x80xi32, #tpu.memory_space<hbm>> -> memref<1x125x80xi32, #tpu.memory_space<hbm>>
      %dma_wait3A_146 = tpu.memref_squeeze %dma_wait3A_145 : memref<1x125x80xi32, #tpu.memory_space<hbm>> -> memref<125x80xi32, #tpu.memory_space<hbm>>
      %dma_wait3A_147 = arith.constant 0 : i32
      %dma_wait3A_148 = arith.constant 0 : i32
      %dma_wait3A_149 = tpu.memref_slice %arg5[%add3A, %dma_wait3A_147, %dma_wait3A_148] : memref<32x125x80xi32, #tpu.memory_space<hbm>> -> memref<1x125x80xi32, #tpu.memory_space<hbm>>
      %dma_wait3A_150 = tpu.memref_squeeze %dma_wait3A_149 : memref<1x125x80xi32, #tpu.memory_space<hbm>> -> memref<125x80xi32, #tpu.memory_space<hbm>>
      tpu.wait_dma2 semaphore(%run_scoped3A : memref<!tpu.dma_semaphore, #tpu.memory_space<semaphore_mem>>) src(%dma_wait3A_150 : memref<125x80xi32, #tpu.memory_space<hbm>>) dst(%arg8 : memref<125x80xi32, #tpu.memory_space<vmem>>)
      tpu.yield
    }) : () -> ()
    %dma_start3A = arith.constant 0 : i32
    %dma_start3A_3 = arith.constant 0 : i32
    %dma_start3A_4 = arith.constant 0 : i32
    %dma_start3A_5 = arith.constant 0 : i32
    %dma_start3A_6 = tpu.memref_slice %arg9[%dma_start3A_3, %dma_start3A_4, %dma_start3A_5] : memref<4x80x128xf32, #tpu.memory_space<vmem>> -> memref<1x80x128xf32, #tpu.memory_space<vmem>>
    %dma_start3A_7 = tpu.memref_squeeze %dma_start3A_6 : memref<1x80x128xf32, #tpu.memory_space<vmem>> -> memref<80x128xf32, #tpu.memory_space<vmem>>
    %dma_start3A_8 = arith.constant 0 : i32
    %dma_start3A_9 = tpu.memref_slice %arg7[%dma_start3A, %dma_start3A_8] : memref<125x80xi32, #tpu.memory_space<vmem>> -> memref<1x80xi32, #tpu.memory_space<vmem>>
    %dma_start3A_10 = tpu.memref_squeeze %dma_start3A_9 : memref<1x80xi32, #tpu.memory_space<vmem>> -> memref<80xi32, #tpu.memory_space<vmem>>
    %dma_start3A_11 = arith.constant 0 : i32
    %dma_start3A_12 = arith.constant 0 : i32
    %dma_start3A_13 = tpu.memref_slice %arg2[%dma_start3A_11, %dma_start3A_12] : memref<10000x128xf32, #tpu.memory_space<hbm>> -> memref<10000x128xf32, #tpu.memory_space<hbm>>
    tpu.enqueue_indirect_dma source(%dma_start3A_13 : memref<10000x128xf32, #tpu.memory_space<hbm>>) target(%dma_start3A_7 : memref<80x128xf32, #tpu.memory_space<vmem>>) offsets(%dma_start3A_10 : memref<80xi32, #tpu.memory_space<vmem>>) semaphore(%arg11 : memref<!tpu.dma_semaphore, #tpu.memory_space<semaphore_mem>>)
    %dma_start3A_14 = arith.constant 0 : i32
    %dma_start3A_15 = arith.constant 0 : i32
    %dma_start3A_16 = arith.constant 0 : i32
    %dma_start3A_17 = arith.constant 0 : i32
    %dma_start3A_18 = tpu.memref_slice %arg10[%dma_start3A_15, %dma_start3A_16, %dma_start3A_17] : memref<4x80x128xf32, #tpu.memory_space<vmem>> -> memref<1x80x128xf32, #tpu.memory_space<vmem>>
    %dma_start3A_19 = tpu.memref_squeeze %dma_start3A_18 : memref<1x80x128xf32, #tpu.memory_space<vmem>> -> memref<80x128xf32, #tpu.memory_space<vmem>>
    %dma_start3A_20 = arith.constant 0 : i32
    %dma_start3A_21 = tpu.memref_slice %arg8[%dma_start3A_14, %dma_start3A_20] : memref<125x80xi32, #tpu.memory_space<vmem>> -> memref<1x80xi32, #tpu.memory_space<vmem>>
    %dma_start3A_22 = tpu.memref_squeeze %dma_start3A_21 : memref<1x80xi32, #tpu.memory_space<vmem>> -> memref<80xi32, #tpu.memory_space<vmem>>
    %dma_start3A_23 = arith.constant 0 : i32
    %dma_start3A_24 = arith.constant 0 : i32
    %dma_start3A_25 = tpu.memref_slice %arg3[%dma_start3A_23, %dma_start3A_24] : memref<10000x128xf32, #tpu.memory_space<hbm>> -> memref<10000x128xf32, #tpu.memory_space<hbm>>
    tpu.enqueue_indirect_dma source(%dma_start3A_25 : memref<10000x128xf32, #tpu.memory_space<hbm>>) target(%dma_start3A_19 : memref<80x128xf32, #tpu.memory_space<vmem>>) offsets(%dma_start3A_22 : memref<80xi32, #tpu.memory_space<vmem>>) semaphore(%arg12 : memref<!tpu.dma_semaphore, #tpu.memory_space<semaphore_mem>>)
    %dma_start3A_26 = arith.constant 1 : i32
    %dma_start3A_27 = arith.constant 1 : i32
    %dma_start3A_28 = arith.constant 0 : i32
    %dma_start3A_29 = arith.constant 0 : i32
    %dma_start3A_30 = tpu.memref_slice %arg9[%dma_start3A_27, %dma_start3A_28, %dma_start3A_29] : memref<4x80x128xf32, #tpu.memory_space<vmem>> -> memref<1x80x128xf32, #tpu.memory_space<vmem>>
    %dma_start3A_31 = tpu.memref_squeeze %dma_start3A_30 : memref<1x80x128xf32, #tpu.memory_space<vmem>> -> memref<80x128xf32, #tpu.memory_space<vmem>>
    %dma_start3A_32 = arith.constant 0 : i32
    %dma_start3A_33 = tpu.memref_slice %arg7[%dma_start3A_26, %dma_start3A_32] : memref<125x80xi32, #tpu.memory_space<vmem>> -> memref<1x80xi32, #tpu.memory_space<vmem>>
    %dma_start3A_34 = tpu.memref_squeeze %dma_start3A_33 : memref<1x80xi32, #tpu.memory_space<vmem>> -> memref<80xi32, #tpu.memory_space<vmem>>
    %dma_start3A_35 = arith.constant 0 : i32
    %dma_start3A_36 = arith.constant 0 : i32
    %dma_start3A_37 = tpu.memref_slice %arg2[%dma_start3A_35, %dma_start3A_36] : memref<10000x128xf32, #tpu.memory_space<hbm>> -> memref<10000x128xf32, #tpu.memory_space<hbm>>
    tpu.enqueue_indirect_dma source(%dma_start3A_37 : memref<10000x128xf32, #tpu.memory_space<hbm>>) target(%dma_start3A_31 : memref<80x128xf32, #tpu.memory_space<vmem>>) offsets(%dma_start3A_34 : memref<80xi32, #tpu.memory_space<vmem>>) semaphore(%arg11 : memref<!tpu.dma_semaphore, #tpu.memory_space<semaphore_mem>>)
    %dma_start3A_38 = arith.constant 1 : i32
    %dma_start3A_39 = arith.constant 1 : i32
    %dma_start3A_40 = arith.constant 0 : i32
    %dma_start3A_41 = arith.constant 0 : i32
    %dma_start3A_42 = tpu.memref_slice %arg10[%dma_start3A_39, %dma_start3A_40, %dma_start3A_41] : memref<4x80x128xf32, #tpu.memory_space<vmem>> -> memref<1x80x128xf32, #tpu.memory_space<vmem>>
    %dma_start3A_43 = tpu.memref_squeeze %dma_start3A_42 : memref<1x80x128xf32, #tpu.memory_space<vmem>> -> memref<80x128xf32, #tpu.memory_space<vmem>>
    %dma_start3A_44 = arith.constant 0 : i32
    %dma_start3A_45 = tpu.memref_slice %arg8[%dma_start3A_38, %dma_start3A_44] : memref<125x80xi32, #tpu.memory_space<vmem>> -> memref<1x80xi32, #tpu.memory_space<vmem>>
    %dma_start3A_46 = tpu.memref_squeeze %dma_start3A_45 : memref<1x80xi32, #tpu.memory_space<vmem>> -> memref<80xi32, #tpu.memory_space<vmem>>
    %dma_start3A_47 = arith.constant 0 : i32
    %dma_start3A_48 = arith.constant 0 : i32
    %dma_start3A_49 = tpu.memref_slice %arg3[%dma_start3A_47, %dma_start3A_48] : memref<10000x128xf32, #tpu.memory_space<hbm>> -> memref<10000x128xf32, #tpu.memory_space<hbm>>
    tpu.enqueue_indirect_dma source(%dma_start3A_49 : memref<10000x128xf32, #tpu.memory_space<hbm>>) target(%dma_start3A_43 : memref<80x128xf32, #tpu.memory_space<vmem>>) offsets(%dma_start3A_46 : memref<80xi32, #tpu.memory_space<vmem>>) semaphore(%arg12 : memref<!tpu.dma_semaphore, #tpu.memory_space<semaphore_mem>>)
    %dma_start3A_50 = arith.constant 2 : i32
    %dma_start3A_51 = arith.constant 2 : i32
    %dma_start3A_52 = arith.constant 0 : i32
    %dma_start3A_53 = arith.constant 0 : i32
    %dma_start3A_54 = tpu.memref_slice %arg9[%dma_start3A_51, %dma_start3A_52, %dma_start3A_53] : memref<4x80x128xf32, #tpu.memory_space<vmem>> -> memref<1x80x128xf32, #tpu.memory_space<vmem>>
    %dma_start3A_55 = tpu.memref_squeeze %dma_start3A_54 : memref<1x80x128xf32, #tpu.memory_space<vmem>> -> memref<80x128xf32, #tpu.memory_space<vmem>>
    %dma_start3A_56 = arith.constant 0 : i32
    %dma_start3A_57 = tpu.memref_slice %arg7[%dma_start3A_50, %dma_start3A_56] : memref<125x80xi32, #tpu.memory_space<vmem>> -> memref<1x80xi32, #tpu.memory_space<vmem>>
    %dma_start3A_58 = tpu.memref_squeeze %dma_start3A_57 : memref<1x80xi32, #tpu.memory_space<vmem>> -> memref<80xi32, #tpu.memory_space<vmem>>
    %dma_start3A_59 = arith.constant 0 : i32
    %dma_start3A_60 = arith.constant 0 : i32
    %dma_start3A_61 = tpu.memref_slice %arg2[%dma_start3A_59, %dma_start3A_60] : memref<10000x128xf32, #tpu.memory_space<hbm>> -> memref<10000x128xf32, #tpu.memory_space<hbm>>
    tpu.enqueue_indirect_dma source(%dma_start3A_61 : memref<10000x128xf32, #tpu.memory_space<hbm>>) target(%dma_start3A_55 : memref<80x128xf32, #tpu.memory_space<vmem>>) offsets(%dma_start3A_58 : memref<80xi32, #tpu.memory_space<vmem>>) semaphore(%arg11 : memref<!tpu.dma_semaphore, #tpu.memory_space<semaphore_mem>>)
    %dma_start3A_62 = arith.constant 2 : i32
    %dma_start3A_63 = arith.constant 2 : i32
    %dma_start3A_64 = arith.constant 0 : i32
    %dma_start3A_65 = arith.constant 0 : i32
    %dma_start3A_66 = tpu.memref_slice %arg10[%dma_start3A_63, %dma_start3A_64, %dma_start3A_65] : memref<4x80x128xf32, #tpu.memory_space<vmem>> -> memref<1x80x128xf32, #tpu.memory_space<vmem>>
    %dma_start3A_67 = tpu.memref_squeeze %dma_start3A_66 : memref<1x80x128xf32, #tpu.memory_space<vmem>> -> memref<80x128xf32, #tpu.memory_space<vmem>>
    %dma_start3A_68 = arith.constant 0 : i32
    %dma_start3A_69 = tpu.memref_slice %arg8[%dma_start3A_62, %dma_start3A_68] : memref<125x80xi32, #tpu.memory_space<vmem>> -> memref<1x80xi32, #tpu.memory_space<vmem>>
    %dma_start3A_70 = tpu.memref_squeeze %dma_start3A_69 : memref<1x80xi32, #tpu.memory_space<vmem>> -> memref<80xi32, #tpu.memory_space<vmem>>
    %dma_start3A_71 = arith.constant 0 : i32
    %dma_start3A_72 = arith.constant 0 : i32
    %dma_start3A_73 = tpu.memref_slice %arg3[%dma_start3A_71, %dma_start3A_72] : memref<10000x128xf32, #tpu.memory_space<hbm>> -> memref<10000x128xf32, #tpu.memory_space<hbm>>
    tpu.enqueue_indirect_dma source(%dma_start3A_73 : memref<10000x128xf32, #tpu.memory_space<hbm>>) target(%dma_start3A_67 : memref<80x128xf32, #tpu.memory_space<vmem>>) offsets(%dma_start3A_70 : memref<80xi32, #tpu.memory_space<vmem>>) semaphore(%arg12 : memref<!tpu.dma_semaphore, #tpu.memory_space<semaphore_mem>>)
    %dma_start3A_74 = arith.constant 3 : i32
    %dma_start3A_75 = arith.constant 3 : i32
    %dma_start3A_76 = arith.constant 0 : i32
    %dma_start3A_77 = arith.constant 0 : i32
    %dma_start3A_78 = tpu.memref_slice %arg9[%dma_start3A_75, %dma_start3A_76, %dma_start3A_77] : memref<4x80x128xf32, #tpu.memory_space<vmem>> -> memref<1x80x128xf32, #tpu.memory_space<vmem>>
    %dma_start3A_79 = tpu.memref_squeeze %dma_start3A_78 : memref<1x80x128xf32, #tpu.memory_space<vmem>> -> memref<80x128xf32, #tpu.memory_space<vmem>>
    %dma_start3A_80 = arith.constant 0 : i32
    %dma_start3A_81 = tpu.memref_slice %arg7[%dma_start3A_74, %dma_start3A_80] : memref<125x80xi32, #tpu.memory_space<vmem>> -> memref<1x80xi32, #tpu.memory_space<vmem>>
    %dma_start3A_82 = tpu.memref_squeeze %dma_start3A_81 : memref<1x80xi32, #tpu.memory_space<vmem>> -> memref<80xi32, #tpu.memory_space<vmem>>
    %dma_start3A_83 = arith.constant 0 : i32
    %dma_start3A_84 = arith.constant 0 : i32
    %dma_start3A_85 = tpu.memref_slice %arg2[%dma_start3A_83, %dma_start3A_84] : memref<10000x128xf32, #tpu.memory_space<hbm>> -> memref<10000x128xf32, #tpu.memory_space<hbm>>
    tpu.enqueue_indirect_dma source(%dma_start3A_85 : memref<10000x128xf32, #tpu.memory_space<hbm>>) target(%dma_start3A_79 : memref<80x128xf32, #tpu.memory_space<vmem>>) offsets(%dma_start3A_82 : memref<80xi32, #tpu.memory_space<vmem>>) semaphore(%arg11 : memref<!tpu.dma_semaphore, #tpu.memory_space<semaphore_mem>>)
    %dma_start3A_86 = arith.constant 3 : i32
    %dma_start3A_87 = arith.constant 3 : i32
    %dma_start3A_88 = arith.constant 0 : i32
    %dma_start3A_89 = arith.constant 0 : i32
    %dma_start3A_90 = tpu.memref_slice %arg10[%dma_start3A_87, %dma_start3A_88, %dma_start3A_89] : memref<4x80x128xf32, #tpu.memory_space<vmem>> -> memref<1x80x128xf32, #tpu.memory_space<vmem>>
    %dma_start3A_91 = tpu.memref_squeeze %dma_start3A_90 : memref<1x80x128xf32, #tpu.memory_space<vmem>> -> memref<80x128xf32, #tpu.memory_space<vmem>>
    %dma_start3A_92 = arith.constant 0 : i32
    %dma_start3A_93 = tpu.memref_slice %arg8[%dma_start3A_86, %dma_start3A_92] : memref<125x80xi32, #tpu.memory_space<vmem>> -> memref<1x80xi32, #tpu.memory_space<vmem>>
    %dma_start3A_94 = tpu.memref_squeeze %dma_start3A_93 : memref<1x80xi32, #tpu.memory_space<vmem>> -> memref<80xi32, #tpu.memory_space<vmem>>
    %dma_start3A_95 = arith.constant 0 : i32
    %dma_start3A_96 = arith.constant 0 : i32
    %dma_start3A_97 = tpu.memref_slice %arg3[%dma_start3A_95, %dma_start3A_96] : memref<10000x128xf32, #tpu.memory_space<hbm>> -> memref<10000x128xf32, #tpu.memory_space<hbm>>
    tpu.enqueue_indirect_dma source(%dma_start3A_97 : memref<10000x128xf32, #tpu.memory_space<hbm>>) target(%dma_start3A_91 : memref<80x128xf32, #tpu.memory_space<vmem>>) offsets(%dma_start3A_94 : memref<80xi32, #tpu.memory_space<vmem>>) semaphore(%arg12 : memref<!tpu.dma_semaphore, #tpu.memory_space<semaphore_mem>>)
    %scan3A = arith.constant 0 : i32
    %scan3A_98 = arith.constant 0 : i32
    %scan3A_99 = arith.constant 125 : i32
    %scan3A_100 = arith.addi %scan3A_98, %scan3A_99 : i32
    %scan3A_101 = arith.constant 1 : i32
    scf.for %scan3A_135 = %scan3A_98 to %scan3A_100 step %scan3A_101  : i32 {
      %ge3A = arith.constant 2 : i32
      %ge3A_136 = arith.cmpi sge, %scan3A_135, %ge3A : i32
      %convert_element_type3A = arith.extui %ge3A_136 : i1 to i32
      %cond3A = arith.constant 0 : i32
      %cond3A_137 = arith.cmpi ne, %convert_element_type3A, %cond3A : i32
      scf.if %cond3A_137 {
        %add3A_177 = arith.constant 4 : i32
        %add3A_178 = arith.addi %scan3A_135, %add3A_177 : i32
        %sub3A = arith.constant 2 : i32
        %sub3A_179 = arith.subi %add3A_178, %sub3A : i32
        %rem3A_180 = arith.constant 4 : i32
        %rem3A_181 = arith.remsi %sub3A_179, %rem3A_180 : i32
        %sub3A_182 = arith.constant 2 : i32
        %sub3A_183 = arith.subi %scan3A_135, %sub3A_182 : i32
        %mul3A_184 = arith.constant 80 : i32
        %mul3A_185 = arith.muli %sub3A_183, %mul3A_184 : i32
        %add3A_186 = arith.addi %mul3A_2, %mul3A_185 : i32
        %dma_wait3A_187 = arith.constant 0 : i32
        %dma_wait3A_188 = arith.constant 0 : i32
        %dma_wait3A_189 = tpu.memref_slice %arg9[%rem3A_181, %dma_wait3A_187, %dma_wait3A_188] : memref<4x80x128xf32, #tpu.memory_space<vmem>> -> memref<1x80x128xf32, #tpu.memory_space<vmem>>
        %dma_wait3A_190 = tpu.memref_squeeze %dma_wait3A_189 : memref<1x80x128xf32, #tpu.memory_space<vmem>> -> memref<80x128xf32, #tpu.memory_space<vmem>>
        %dma_wait3A_191 = arith.constant 0 : i32
        %dma_wait3A_192 = tpu.memref_slice %arg6[%add3A_186, %dma_wait3A_191] : memref<320000x128xf32, #tpu.memory_space<hbm>> -> memref<80x128xf32, #tpu.memory_space<hbm>>
        %dma_wait3A_193 = arith.constant 0 : i32
        %dma_wait3A_194 = tpu.memref_slice %arg6[%add3A_186, %dma_wait3A_193] : memref<320000x128xf32, #tpu.memory_space<hbm>> -> memref<80x128xf32, #tpu.memory_space<hbm>>
        %dma_wait3A_195 = arith.constant 0 : i32
        %dma_wait3A_196 = arith.constant 0 : i32
        %dma_wait3A_197 = tpu.memref_slice %arg9[%rem3A_181, %dma_wait3A_195, %dma_wait3A_196] : memref<4x80x128xf32, #tpu.memory_space<vmem>> -> memref<1x80x128xf32, #tpu.memory_space<vmem>>
        %dma_wait3A_198 = tpu.memref_squeeze %dma_wait3A_197 : memref<1x80x128xf32, #tpu.memory_space<vmem>> -> memref<80x128xf32, #tpu.memory_space<vmem>>
        tpu.wait_dma2 semaphore(%arg13 : memref<!tpu.dma_semaphore, #tpu.memory_space<semaphore_mem>>) src(%dma_wait3A_198 : memref<80x128xf32, #tpu.memory_space<vmem>>) dst(%dma_wait3A_194 : memref<80x128xf32, #tpu.memory_space<hbm>>)
        %add3A_199 = arith.constant 4 : i32
        %add3A_200 = arith.addi %scan3A_135, %add3A_199 : i32
        %sub3A_201 = arith.constant 2 : i32
        %sub3A_202 = arith.subi %add3A_200, %sub3A_201 : i32
        %lt3A = arith.constant 125 : i32
        %lt3A_203 = arith.cmpi slt, %sub3A_202, %lt3A : i32
        %convert_element_type3A_204 = arith.extui %lt3A_203 : i1 to i32
        %cond3A_205 = arith.constant 0 : i32
        %cond3A_206 = arith.cmpi ne, %convert_element_type3A_204, %cond3A_205 : i32
        scf.if %cond3A_206 {
          %add3A_207 = arith.constant 4 : i32
          %add3A_208 = arith.addi %scan3A_135, %add3A_207 : i32
          %sub3A_209 = arith.constant 2 : i32
          %sub3A_210 = arith.subi %add3A_208, %sub3A_209 : i32
          %dma_start3A_211 = arith.constant 0 : i32
          %dma_start3A_212 = arith.constant 0 : i32
          %dma_start3A_213 = tpu.memref_slice %arg9[%rem3A_181, %dma_start3A_211, %dma_start3A_212] : memref<4x80x128xf32, #tpu.memory_space<vmem>> -> memref<1x80x128xf32, #tpu.memory_space<vmem>>
          %dma_start3A_214 = tpu.memref_squeeze %dma_start3A_213 : memref<1x80x128xf32, #tpu.memory_space<vmem>> -> memref<80x128xf32, #tpu.memory_space<vmem>>
          %dma_start3A_215 = arith.constant 0 : i32
          %dma_start3A_216 = tpu.memref_slice %arg7[%sub3A_210, %dma_start3A_215] : memref<125x80xi32, #tpu.memory_space<vmem>> -> memref<1x80xi32, #tpu.memory_space<vmem>>
          %dma_start3A_217 = tpu.memref_squeeze %dma_start3A_216 : memref<1x80xi32, #tpu.memory_space<vmem>> -> memref<80xi32, #tpu.memory_space<vmem>>
          %dma_start3A_218 = arith.constant 0 : i32
          %dma_start3A_219 = arith.constant 0 : i32
          %dma_start3A_220 = tpu.memref_slice %arg2[%dma_start3A_218, %dma_start3A_219] : memref<10000x128xf32, #tpu.memory_space<hbm>> -> memref<10000x128xf32, #tpu.memory_space<hbm>>
          tpu.enqueue_indirect_dma source(%dma_start3A_220 : memref<10000x128xf32, #tpu.memory_space<hbm>>) target(%dma_start3A_214 : memref<80x128xf32, #tpu.memory_space<vmem>>) offsets(%dma_start3A_217 : memref<80xi32, #tpu.memory_space<vmem>>) semaphore(%arg11 : memref<!tpu.dma_semaphore, #tpu.memory_space<semaphore_mem>>)
          %add3A_221 = arith.constant 4 : i32
          %add3A_222 = arith.addi %scan3A_135, %add3A_221 : i32
          %sub3A_223 = arith.constant 2 : i32
          %sub3A_224 = arith.subi %add3A_222, %sub3A_223 : i32
          %dma_start3A_225 = arith.constant 0 : i32
          %dma_start3A_226 = arith.constant 0 : i32
          %dma_start3A_227 = tpu.memref_slice %arg10[%rem3A_181, %dma_start3A_225, %dma_start3A_226] : memref<4x80x128xf32, #tpu.memory_space<vmem>> -> memref<1x80x128xf32, #tpu.memory_space<vmem>>
          %dma_start3A_228 = tpu.memref_squeeze %dma_start3A_227 : memref<1x80x128xf32, #tpu.memory_space<vmem>> -> memref<80x128xf32, #tpu.memory_space<vmem>>
          %dma_start3A_229 = arith.constant 0 : i32
          %dma_start3A_230 = tpu.memref_slice %arg8[%sub3A_224, %dma_start3A_229] : memref<125x80xi32, #tpu.memory_space<vmem>> -> memref<1x80xi32, #tpu.memory_space<vmem>>
          %dma_start3A_231 = tpu.memref_squeeze %dma_start3A_230 : memref<1x80xi32, #tpu.memory_space<vmem>> -> memref<80xi32, #tpu.memory_space<vmem>>
          %dma_start3A_232 = arith.constant 0 : i32
          %dma_start3A_233 = arith.constant 0 : i32
          %dma_start3A_234 = tpu.memref_slice %arg3[%dma_start3A_232, %dma_start3A_233] : memref<10000x128xf32, #tpu.memory_space<hbm>> -> memref<10000x128xf32, #tpu.memory_space<hbm>>
          tpu.enqueue_indirect_dma source(%dma_start3A_234 : memref<10000x128xf32, #tpu.memory_space<hbm>>) target(%dma_start3A_228 : memref<80x128xf32, #tpu.memory_space<vmem>>) offsets(%dma_start3A_231 : memref<80xi32, #tpu.memory_space<vmem>>) semaphore(%arg12 : memref<!tpu.dma_semaphore, #tpu.memory_space<semaphore_mem>>)
        } else {
        }
      } else {
      }
      %rem3A_138 = arith.constant 4 : i32
      %rem3A_139 = arith.remsi %scan3A_135, %rem3A_138 : i32
      %dma_wait3A_140 = arith.constant 0 : i32
      %dma_wait3A_141 = arith.constant 0 : i32
      %dma_wait3A_142 = tpu.memref_slice %arg9[%rem3A_139, %dma_wait3A_140, %dma_wait3A_141] : memref<4x80x128xf32, #tpu.memory_space<vmem>> -> memref<1x80x128xf32, #tpu.memory_space<vmem>>
      %dma_wait3A_143 = tpu.memref_squeeze %dma_wait3A_142 : memref<1x80x128xf32, #tpu.memory_space<vmem>> -> memref<80x128xf32, #tpu.memory_space<vmem>>
      %dma_wait3A_144 = arith.constant 0 : i32
      %dma_wait3A_145 = tpu.memref_slice %arg7[%scan3A_135, %dma_wait3A_144] : memref<125x80xi32, #tpu.memory_space<vmem>> -> memref<1x80xi32, #tpu.memory_space<vmem>>
      %dma_wait3A_146 = tpu.memref_squeeze %dma_wait3A_145 : memref<1x80xi32, #tpu.memory_space<vmem>> -> memref<80xi32, #tpu.memory_space<vmem>>
      %dma_wait3A_147 = arith.constant 0 : i32
      %dma_wait3A_148 = arith.constant 0 : i32
      %dma_wait3A_149 = tpu.memref_slice %arg2[%dma_wait3A_147, %dma_wait3A_148] : memref<10000x128xf32, #tpu.memory_space<hbm>> -> memref<10000x128xf32, #tpu.memory_space<hbm>>
      tpu.wait_indirect_dma semaphore(%arg11 : memref<!tpu.dma_semaphore, #tpu.memory_space<semaphore_mem>>) src(%dma_wait3A_149 : memref<10000x128xf32, #tpu.memory_space<hbm>>) dst(%dma_wait3A_143 : memref<80x128xf32, #tpu.memory_space<vmem>>)
      %dma_wait3A_150 = arith.constant 0 : i32
      %dma_wait3A_151 = arith.constant 0 : i32
      %dma_wait3A_152 = tpu.memref_slice %arg10[%rem3A_139, %dma_wait3A_150, %dma_wait3A_151] : memref<4x80x128xf32, #tpu.memory_space<vmem>> -> memref<1x80x128xf32, #tpu.memory_space<vmem>>
      %dma_wait3A_153 = tpu.memref_squeeze %dma_wait3A_152 : memref<1x80x128xf32, #tpu.memory_space<vmem>> -> memref<80x128xf32, #tpu.memory_space<vmem>>
      %dma_wait3A_154 = arith.constant 0 : i32
      %dma_wait3A_155 = tpu.memref_slice %arg8[%scan3A_135, %dma_wait3A_154] : memref<125x80xi32, #tpu.memory_space<vmem>> -> memref<1x80xi32, #tpu.memory_space<vmem>>
      %dma_wait3A_156 = tpu.memref_squeeze %dma_wait3A_155 : memref<1x80xi32, #tpu.memory_space<vmem>> -> memref<80xi32, #tpu.memory_space<vmem>>
      %dma_wait3A_157 = arith.constant 0 : i32
      %dma_wait3A_158 = arith.constant 0 : i32
      %dma_wait3A_159 = tpu.memref_slice %arg3[%dma_wait3A_157, %dma_wait3A_158] : memref<10000x128xf32, #tpu.memory_space<hbm>> -> memref<10000x128xf32, #tpu.memory_space<hbm>>
      tpu.wait_indirect_dma semaphore(%arg12 : memref<!tpu.dma_semaphore, #tpu.memory_space<semaphore_mem>>) src(%dma_wait3A_159 : memref<10000x128xf32, #tpu.memory_space<hbm>>) dst(%dma_wait3A_153 : memref<80x128xf32, #tpu.memory_space<vmem>>)
      %parallel_loop3A = arith.constant 0 : i32
      %parallel_loop3A_160 = arith.constant 80 : i32
      %parallel_loop3A_161 = arith.constant 1 : i32
      scf.for %parallel_loop3A_177 = %parallel_loop3A to %parallel_loop3A_160 step %parallel_loop3A_161  : i32 {
        %parallel_loop3A_178 = arith.index_cast %rem3A_139 : i32 to index
        %parallel_loop3A_179 = arith.index_cast %parallel_loop3A_177 : i32 to index
        %parallel_loop3A_180 = arith.constant 0 : index
        %parallel_loop3A_181 = tpu.vector_load %arg9[%parallel_loop3A_178, %parallel_loop3A_179, %parallel_loop3A_180] {strides = array<i32>} : memref<4x80x128xf32, #tpu.memory_space<vmem>>, vector<1x1x16xf32>,
        %parallel_loop3A_182 = vector.shape_cast %parallel_loop3A_181 : vector<1x1x16xf32> to vector<16xf32>
        %parallel_loop3A_183 = arith.index_cast %rem3A_139 : i32 to index
        %parallel_loop3A_184 = arith.index_cast %parallel_loop3A_177 : i32 to index
        %parallel_loop3A_185 = arith.constant 0 : index
        %parallel_loop3A_186 = tpu.vector_load %arg10[%parallel_loop3A_183, %parallel_loop3A_184, %parallel_loop3A_185] {strides = array<i32>} : memref<4x80x128xf32, #tpu.memory_space<vmem>>, vector<1x1x16xf32>,
        %parallel_loop3A_187 = vector.shape_cast %parallel_loop3A_186 : vector<1x1x16xf32> to vector<16xf32>
        %parallel_loop3A_188 = arith.addf %parallel_loop3A_182, %parallel_loop3A_187 : vector<16xf32>
        %parallel_loop3A_189 = arith.index_cast %rem3A_139 : i32 to index
        %parallel_loop3A_190 = arith.index_cast %parallel_loop3A_177 : i32 to index
        %parallel_loop3A_191 = arith.constant 0 : index
        %parallel_loop3A_192 = tpu.vector_load %arg9[%parallel_loop3A_189, %parallel_loop3A_190, %parallel_loop3A_191] {strides = array<i32>} : memref<4x80x128xf32, #tpu.memory_space<vmem>>, vector<1x1x16xf32>,
        %parallel_loop3A_193 = vector.shape_cast %parallel_loop3A_192 : vector<1x1x16xf32> to vector<16xf32>
        %parallel_loop3A_194 = vector.shape_cast %parallel_loop3A_188 : vector<16xf32> to vector<1x1x16xf32>
        tpu.vector_store %arg9[%parallel_loop3A_189, %parallel_loop3A_190, %parallel_loop3A_191], %parallel_loop3A_194 {strides = array<i32>} : memref<4x80x128xf32, #tpu.memory_space<vmem>>, vector<1x1x16xf32>,
        %parallel_loop3A_195 = arith.index_cast %rem3A_139 : i32 to index
        %parallel_loop3A_196 = arith.index_cast %parallel_loop3A_177 : i32 to index
        %parallel_loop3A_197 = arith.constant 16 : index
        %parallel_loop3A_198 = tpu.vector_load %arg9[%parallel_loop3A_195, %parallel_loop3A_196, %parallel_loop3A_197] {strides = array<i32>} : memref<4x80x128xf32, #tpu.memory_space<vmem>>, vector<1x1x16xf32>,
        %parallel_loop3A_199 = vector.shape_cast %parallel_loop3A_198 : vector<1x1x16xf32> to vector<16xf32>
        %parallel_loop3A_200 = arith.index_cast %rem3A_139 : i32 to index
        %parallel_loop3A_201 = arith.index_cast %parallel_loop3A_177 : i32 to index
        %parallel_loop3A_202 = arith.constant 16 : index
        %parallel_loop3A_203 = tpu.vector_load %arg10[%parallel_loop3A_200, %parallel_loop3A_201, %parallel_loop3A_202] {strides = array<i32>} : memref<4x80x128xf32, #tpu.memory_space<vmem>>, vector<1x1x16xf32>,
        %parallel_loop3A_204 = vector.shape_cast %parallel_loop3A_203 : vector<1x1x16xf32> to vector<16xf32>
        %parallel_loop3A_205 = arith.addf %parallel_loop3A_199, %parallel_loop3A_204 : vector<16xf32>
        %parallel_loop3A_206 = arith.index_cast %rem3A_139 : i32 to index
        %parallel_loop3A_207 = arith.index_cast %parallel_loop3A_177 : i32 to index
        %parallel_loop3A_208 = arith.constant 16 : index
        %parallel_loop3A_209 = tpu.vector_load %arg9[%parallel_loop3A_206, %parallel_loop3A_207, %parallel_loop3A_208] {strides = array<i32>} : memref<4x80x128xf32, #tpu.memory_space<vmem>>, vector<1x1x16xf32>,
        %parallel_loop3A_210 = vector.shape_cast %parallel_loop3A_209 : vector<1x1x16xf32> to vector<16xf32>
        %parallel_loop3A_211 = vector.shape_cast %parallel_loop3A_205 : vector<16xf32> to vector<1x1x16xf32>
        tpu.vector_store %arg9[%parallel_loop3A_206, %parallel_loop3A_207, %parallel_loop3A_208], %parallel_loop3A_211 {strides = array<i32>} : memref<4x80x128xf32, #tpu.memory_space<vmem>>, vector<1x1x16xf32>,
        %parallel_loop3A_212 = arith.index_cast %rem3A_139 : i32 to index
        %parallel_loop3A_213 = arith.index_cast %parallel_loop3A_177 : i32 to index
        %parallel_loop3A_214 = arith.constant 32 : index
        %parallel_loop3A_215 = tpu.vector_load %arg9[%parallel_loop3A_212, %parallel_loop3A_213, %parallel_loop3A_214] {strides = array<i32>} : memref<4x80x128xf32, #tpu.memory_space<vmem>>, vector<1x1x16xf32>,
        %parallel_loop3A_216 = vector.shape_cast %parallel_loop3A_215 : vector<1x1x16xf32> to vector<16xf32>
        %parallel_loop3A_217 = arith.index_cast %rem3A_139 : i32 to index
        %parallel_loop3A_218 = arith.index_cast %parallel_loop3A_177 : i32 to index
        %parallel_loop3A_219 = arith.constant 32 : index
        %parallel_loop3A_220 = tpu.vector_load %arg10[%parallel_loop3A_217, %parallel_loop3A_218, %parallel_loop3A_219] {strides = array<i32>} : memref<4x80x128xf32, #tpu.memory_space<vmem>>, vector<1x1x16xf32>,
        %parallel_loop3A_221 = vector.shape_cast %parallel_loop3A_220 : vector<1x1x16xf32> to vector<16xf32>
        %parallel_loop3A_222 = arith.addf %parallel_loop3A_216, %parallel_loop3A_221 : vector<16xf32>
        %parallel_loop3A_223 = arith.index_cast %rem3A_139 : i32 to index
        %parallel_loop3A_224 = arith.index_cast %parallel_loop3A_177 : i32 to index
        %parallel_loop3A_225 = arith.constant 32 : index
        %parallel_loop3A_226 = tpu.vector_load %arg9[%parallel_loop3A_223, %parallel_loop3A_224, %parallel_loop3A_225] {strides = array<i32>} : memref<4x80x128xf32, #tpu.memory_space<vmem>>, vector<1x1x16xf32>,
        %parallel_loop3A_227 = vector.shape_cast %parallel_loop3A_226 : vector<1x1x16xf32> to vector<16xf32>
        %parallel_loop3A_228 = vector.shape_cast %parallel_loop3A_222 : vector<16xf32> to vector<1x1x16xf32>
        tpu.vector_store %arg9[%parallel_loop3A_223, %parallel_loop3A_224, %parallel_loop3A_225], %parallel_loop3A_228 {strides = array<i32>} : memref<4x80x128xf32, #tpu.memory_space<vmem>>, vector<1x1x16xf32>,
        %parallel_loop3A_229 = arith.index_cast %rem3A_139 : i32 to index
        %parallel_loop3A_230 = arith.index_cast %parallel_loop3A_177 : i32 to index
        %parallel_loop3A_231 = arith.constant 48 : index
        %parallel_loop3A_232 = tpu.vector_load %arg9[%parallel_loop3A_229, %parallel_loop3A_230, %parallel_loop3A_231] {strides = array<i32>} : memref<4x80x128xf32, #tpu.memory_space<vmem>>, vector<1x1x16xf32>,
        %parallel_loop3A_233 = vector.shape_cast %parallel_loop3A_232 : vector<1x1x16xf32> to vector<16xf32>
        %parallel_loop3A_234 = arith.index_cast %rem3A_139 : i32 to index
        %parallel_loop3A_235 = arith.index_cast %parallel_loop3A_177 : i32 to index
        %parallel_loop3A_236 = arith.constant 48 : index
        %parallel_loop3A_237 = tpu.vector_load %arg10[%parallel_loop3A_234, %parallel_loop3A_235, %parallel_loop3A_236] {strides = array<i32>} : memref<4x80x128xf32, #tpu.memory_space<vmem>>, vector<1x1x16xf32>,
        %parallel_loop3A_238 = vector.shape_cast %parallel_loop3A_237 : vector<1x1x16xf32> to vector<16xf32>
        %parallel_loop3A_239 = arith.addf %parallel_loop3A_233, %parallel_loop3A_238 : vector<16xf32>
        %parallel_loop3A_240 = arith.index_cast %rem3A_139 : i32 to index
        %parallel_loop3A_241 = arith.index_cast %parallel_loop3A_177 : i32 to index
        %parallel_loop3A_242 = arith.constant 48 : index
        %parallel_loop3A_243 = tpu.vector_load %arg9[%parallel_loop3A_240, %parallel_loop3A_241, %parallel_loop3A_242] {strides = array<i32>} : memref<4x80x128xf32, #tpu.memory_space<vmem>>, vector<1x1x16xf32>,
        %parallel_loop3A_244 = vector.shape_cast %parallel_loop3A_243 : vector<1x1x16xf32> to vector<16xf32>
        %parallel_loop3A_245 = vector.shape_cast %parallel_loop3A_239 : vector<16xf32> to vector<1x1x16xf32>
        tpu.vector_store %arg9[%parallel_loop3A_240, %parallel_loop3A_241, %parallel_loop3A_242], %parallel_loop3A_245 {strides = array<i32>} : memref<4x80x128xf32, #tpu.memory_space<vmem>>, vector<1x1x16xf32>,
        %parallel_loop3A_246 = arith.index_cast %rem3A_139 : i32 to index
        %parallel_loop3A_247 = arith.index_cast %parallel_loop3A_177 : i32 to index
        %parallel_loop3A_248 = arith.constant 64 : index
        %parallel_loop3A_249 = tpu.vector_load %arg9[%parallel_loop3A_246, %parallel_loop3A_247, %parallel_loop3A_248] {strides = array<i32>} : memref<4x80x128xf32, #tpu.memory_space<vmem>>, vector<1x1x16xf32>,
        %parallel_loop3A_250 = vector.shape_cast %parallel_loop3A_249 : vector<1x1x16xf32> to vector<16xf32>
        %parallel_loop3A_251 = arith.index_cast %rem3A_139 : i32 to index
        %parallel_loop3A_252 = arith.index_cast %parallel_loop3A_177 : i32 to index
        %parallel_loop3A_253 = arith.constant 64 : index
        %parallel_loop3A_254 = tpu.vector_load %arg10[%parallel_loop3A_251, %parallel_loop3A_252, %parallel_loop3A_253] {strides = array<i32>} : memref<4x80x128xf32, #tpu.memory_space<vmem>>, vector<1x1x16xf32>,
        %parallel_loop3A_255 = vector.shape_cast %parallel_loop3A_254 : vector<1x1x16xf32> to vector<16xf32>
        %parallel_loop3A_256 = arith.addf %parallel_loop3A_250, %parallel_loop3A_255 : vector<16xf32>
        %parallel_loop3A_257 = arith.index_cast %rem3A_139 : i32 to index
        %parallel_loop3A_258 = arith.index_cast %parallel_loop3A_177 : i32 to index
        %parallel_loop3A_259 = arith.constant 64 : index
        %parallel_loop3A_260 = tpu.vector_load %arg9[%parallel_loop3A_257, %parallel_loop3A_258, %parallel_loop3A_259] {strides = array<i32>} : memref<4x80x128xf32, #tpu.memory_space<vmem>>, vector<1x1x16xf32>,
        %parallel_loop3A_261 = vector.shape_cast %parallel_loop3A_260 : vector<1x1x16xf32> to vector<16xf32>
        %parallel_loop3A_262 = vector.shape_cast %parallel_loop3A_256 : vector<16xf32> to vector<1x1x16xf32>
        tpu.vector_store %arg9[%parallel_loop3A_257, %parallel_loop3A_258, %parallel_loop3A_259], %parallel_loop3A_262 {strides = array<i32>} : memref<4x80x128xf32, #tpu.memory_space<vmem>>, vector<1x1x16xf32>,
        %parallel_loop3A_263 = arith.index_cast %rem3A_139 : i32 to index
        %parallel_loop3A_264 = arith.index_cast %parallel_loop3A_177 : i32 to index
        %parallel_loop3A_265 = arith.constant 80 : index
        %parallel_loop3A_266 = tpu.vector_load %arg9[%parallel_loop3A_263, %parallel_loop3A_264, %parallel_loop3A_265] {strides = array<i32>} : memref<4x80x128xf32, #tpu.memory_space<vmem>>, vector<1x1x16xf32>,
        %parallel_loop3A_267 = vector.shape_cast %parallel_loop3A_266 : vector<1x1x16xf32> to vector<16xf32>
        %parallel_loop3A_268 = arith.index_cast %rem3A_139 : i32 to index
        %parallel_loop3A_269 = arith.index_cast %parallel_loop3A_177 : i32 to index
        %parallel_loop3A_270 = arith.constant 80 : index
        %parallel_loop3A_271 = tpu.vector_load %arg10[%parallel_loop3A_268, %parallel_loop3A_269, %parallel_loop3A_270] {strides = array<i32>} : memref<4x80x128xf32, #tpu.memory_space<vmem>>, vector<1x1x16xf32>,
        %parallel_loop3A_272 = vector.shape_cast %parallel_loop3A_271 : vector<1x1x16xf32> to vector<16xf32>
        %parallel_loop3A_273 = arith.addf %parallel_loop3A_267, %parallel_loop3A_272 : vector<16xf32>
        %parallel_loop3A_274 = arith.index_cast %rem3A_139 : i32 to index
        %parallel_loop3A_275 = arith.index_cast %parallel_loop3A_177 : i32 to index
        %parallel_loop3A_276 = arith.constant 80 : index
        %parallel_loop3A_277 = tpu.vector_load %arg9[%parallel_loop3A_274, %parallel_loop3A_275, %parallel_loop3A_276] {strides = array<i32>} : memref<4x80x128xf32, #tpu.memory_space<vmem>>, vector<1x1x16xf32>,
        %parallel_loop3A_278 = vector.shape_cast %parallel_loop3A_277 : vector<1x1x16xf32> to vector<16xf32>
        %parallel_loop3A_279 = vector.shape_cast %parallel_loop3A_273 : vector<16xf32> to vector<1x1x16xf32>
        tpu.vector_store %arg9[%parallel_loop3A_274, %parallel_loop3A_275, %parallel_loop3A_276], %parallel_loop3A_279 {strides = array<i32>} : memref<4x80x128xf32, #tpu.memory_space<vmem>>, vector<1x1x16xf32>,
        %parallel_loop3A_280 = arith.index_cast %rem3A_139 : i32 to index
        %parallel_loop3A_281 = arith.index_cast %parallel_loop3A_177 : i32 to index
        %parallel_loop3A_282 = arith.constant 96 : index
        %parallel_loop3A_283 = tpu.vector_load %arg9[%parallel_loop3A_280, %parallel_loop3A_281, %parallel_loop3A_282] {strides = array<i32>} : memref<4x80x128xf32, #tpu.memory_space<vmem>>, vector<1x1x16xf32>,
        %parallel_loop3A_284 = vector.shape_cast %parallel_loop3A_283 : vector<1x1x16xf32> to vector<16xf32>
        %parallel_loop3A_285 = arith.index_cast %rem3A_139 : i32 to index
        %parallel_loop3A_286 = arith.index_cast %parallel_loop3A_177 : i32 to index
        %parallel_loop3A_287 = arith.constant 96 : index
        %parallel_loop3A_288 = tpu.vector_load %arg10[%parallel_loop3A_285, %parallel_loop3A_286, %parallel_loop3A_287] {strides = array<i32>} : memref<4x80x128xf32, #tpu.memory_space<vmem>>, vector<1x1x16xf32>,
        %parallel_loop3A_289 = vector.shape_cast %parallel_loop3A_288 : vector<1x1x16xf32> to vector<16xf32>
        %parallel_loop3A_290 = arith.addf %parallel_loop3A_284, %parallel_loop3A_289 : vector<16xf32>
        %parallel_loop3A_291 = arith.index_cast %rem3A_139 : i32 to index
        %parallel_loop3A_292 = arith.index_cast %parallel_loop3A_177 : i32 to index
        %parallel_loop3A_293 = arith.constant 96 : index
        %parallel_loop3A_294 = tpu.vector_load %arg9[%parallel_loop3A_291, %parallel_loop3A_292, %parallel_loop3A_293] {strides = array<i32>} : memref<4x80x128xf32, #tpu.memory_space<vmem>>, vector<1x1x16xf32>,
        %parallel_loop3A_295 = vector.shape_cast %parallel_loop3A_294 : vector<1x1x16xf32> to vector<16xf32>
        %parallel_loop3A_296 = vector.shape_cast %parallel_loop3A_290 : vector<16xf32> to vector<1x1x16xf32>
        tpu.vector_store %arg9[%parallel_loop3A_291, %parallel_loop3A_292, %parallel_loop3A_293], %parallel_loop3A_296 {strides = array<i32>} : memref<4x80x128xf32, #tpu.memory_space<vmem>>, vector<1x1x16xf32>,
        %parallel_loop3A_297 = arith.index_cast %rem3A_139 : i32 to index
        %parallel_loop3A_298 = arith.index_cast %parallel_loop3A_177 : i32 to index
        %parallel_loop3A_299 = arith.constant 112 : index
        %parallel_loop3A_300 = tpu.vector_load %arg9[%parallel_loop3A_297, %parallel_loop3A_298, %parallel_loop3A_299] {strides = array<i32>} : memref<4x80x128xf32, #tpu.memory_space<vmem>>, vector<1x1x16xf32>,
        %parallel_loop3A_301 = vector.shape_cast %parallel_loop3A_300 : vector<1x1x16xf32> to vector<16xf32>
        %parallel_loop3A_302 = arith.index_cast %rem3A_139 : i32 to index
        %parallel_loop3A_303 = arith.index_cast %parallel_loop3A_177 : i32 to index
        %parallel_loop3A_304 = arith.constant 112 : index
        %parallel_loop3A_305 = tpu.vector_load %arg10[%parallel_loop3A_302, %parallel_loop3A_303, %parallel_loop3A_304] {strides = array<i32>} : memref<4x80x128xf32, #tpu.memory_space<vmem>>, vector<1x1x16xf32>,
        %parallel_loop3A_306 = vector.shape_cast %parallel_loop3A_305 : vector<1x1x16xf32> to vector<16xf32>
        %parallel_loop3A_307 = arith.addf %parallel_loop3A_301, %parallel_loop3A_306 : vector<16xf32>
        %parallel_loop3A_308 = arith.index_cast %rem3A_139 : i32 to index
        %parallel_loop3A_309 = arith.index_cast %parallel_loop3A_177 : i32 to index
        %parallel_loop3A_310 = arith.constant 112 : index
        %parallel_loop3A_311 = tpu.vector_load %arg9[%parallel_loop3A_308, %parallel_loop3A_309, %parallel_loop3A_310] {strides = array<i32>} : memref<4x80x128xf32, #tpu.memory_space<vmem>>, vector<1x1x16xf32>,
        %parallel_loop3A_312 = vector.shape_cast %parallel_loop3A_311 : vector<1x1x16xf32> to vector<16xf32>
        %parallel_loop3A_313 = vector.shape_cast %parallel_loop3A_307 : vector<16xf32> to vector<1x1x16xf32>
        tpu.vector_store %arg9[%parallel_loop3A_308, %parallel_loop3A_309, %parallel_loop3A_310], %parallel_loop3A_313 {strides = array<i32>} : memref<4x80x128xf32, #tpu.memory_space<vmem>>, vector<1x1x16xf32>,
      } {sc.loop_unroll_factor = 4 : i64, sc.parallel_access}
      %mul3A_162 = arith.constant 80 : i32
      %mul3A_163 = arith.muli %scan3A_135, %mul3A_162 : i32
      %add3A_164 = arith.addi %mul3A_2, %mul3A_163 : i32
      %dma_start3A_165 = arith.constant 0 : i32
      %dma_start3A_166 = arith.constant 0 : i32
      %dma_start3A_167 = tpu.memref_slice %arg9[%rem3A_139, %dma_start3A_165, %dma_start3A_166] : memref<4x80x128xf32, #tpu.memory_space<vmem>> -> memref<1x80x128xf32, #tpu.memory_space<vmem>>
      %dma_start3A_168 = tpu.memref_squeeze %dma_start3A_167 : memref<1x80x128xf32, #tpu.memory_space<vmem>> -> memref<80x128xf32, #tpu.memory_space<vmem>>
      %dma_start3A_169 = arith.constant 0 : i32
      %dma_start3A_170 = tpu.memref_slice %arg6[%add3A_164, %dma_start3A_169] : memref<320000x128xf32, #tpu.memory_space<hbm>> -> memref<80x128xf32, #tpu.memory_space<hbm>>
      %dma_start3A_171 = arith.constant 0 : i32
      %dma_start3A_172 = tpu.memref_slice %arg6[%add3A_164, %dma_start3A_171] : memref<320000x128xf32, #tpu.memory_space<hbm>> -> memref<80x128xf32, #tpu.memory_space<hbm>>
      %dma_start3A_173 = arith.constant 0 : i32
      %dma_start3A_174 = arith.constant 0 : i32
      %dma_start3A_175 = tpu.memref_slice %arg9[%rem3A_139, %dma_start3A_173, %dma_start3A_174] : memref<4x80x128xf32, #tpu.memory_space<vmem>> -> memref<1x80x128xf32, #tpu.memory_space<vmem>>
      %dma_start3A_176 = tpu.memref_squeeze %dma_start3A_175 : memref<1x80x128xf32, #tpu.memory_space<vmem>> -> memref<80x128xf32, #tpu.memory_space<vmem>>
      tpu.enqueue_dma source(%dma_start3A_176 : memref<80x128xf32, #tpu.memory_space<vmem>>) target(%dma_start3A_172 : memref<80x128xf32, #tpu.memory_space<hbm>>) target_semaphore(%arg13 : memref<!tpu.dma_semaphore, #tpu.memory_space<semaphore_mem>>)
    }
    %scan3A_102 = arith.constant 125 : i32
    %rem3A = arith.constant 123 : i32
    %rem3A_103 = arith.constant 4 : i32
    %rem3A_104 = arith.remsi %rem3A, %rem3A_103 : i32
    %add3A_105 = arith.constant 9840 : i32
    %add3A_106 = arith.addi %mul3A_2, %add3A_105 : i32
    %dma_wait3A = arith.constant 0 : i32
    %dma_wait3A_107 = arith.constant 0 : i32
    %dma_wait3A_108 = tpu.memref_slice %arg9[%rem3A_104, %dma_wait3A, %dma_wait3A_107] : memref<4x80x128xf32, #tpu.memory_space<vmem>> -> memref<1x80x128xf32, #tpu.memory_space<vmem>>
    %dma_wait3A_109 = tpu.memref_squeeze %dma_wait3A_108 : memref<1x80x128xf32, #tpu.memory_space<vmem>> -> memref<80x128xf32, #tpu.memory_space<vmem>>
    %dma_wait3A_110 = arith.constant 0 : i32
    %dma_wait3A_111 = tpu.memref_slice %arg6[%add3A_106, %dma_wait3A_110] : memref<320000x128xf32, #tpu.memory_space<hbm>> -> memref<80x128xf32, #tpu.memory_space<hbm>>
    %dma_wait3A_112 = arith.constant 0 : i32
    %dma_wait3A_113 = tpu.memref_slice %arg6[%add3A_106, %dma_wait3A_112] : memref<320000x128xf32, #tpu.memory_space<hbm>> -> memref<80x128xf32, #tpu.memory_space<hbm>>
    %dma_wait3A_114 = arith.constant 0 : i32
    %dma_wait3A_115 = arith.constant 0 : i32
    %dma_wait3A_116 = tpu.memref_slice %arg9[%rem3A_104, %dma_wait3A_114, %dma_wait3A_115] : memref<4x80x128xf32, #tpu.memory_space<vmem>> -> memref<1x80x128xf32, #tpu.memory_space<vmem>>
    %dma_wait3A_117 = tpu.memref_squeeze %dma_wait3A_116 : memref<1x80x128xf32, #tpu.memory_space<vmem>> -> memref<80x128xf32, #tpu.memory_space<vmem>>
    tpu.wait_dma2 semaphore(%arg13 : memref<!tpu.dma_semaphore, #tpu.memory_space<semaphore_mem>>) src(%dma_wait3A_117 : memref<80x128xf32, #tpu.memory_space<vmem>>) dst(%dma_wait3A_113 : memref<80x128xf32, #tpu.memory_space<hbm>>)
    %rem3A_118 = arith.constant 124 : i32
    %rem3A_119 = arith.constant 4 : i32
    %rem3A_120 = arith.remsi %rem3A_118, %rem3A_119 : i32
    %add3A_121 = arith.constant 9920 : i32
    %add3A_122 = arith.addi %mul3A_2, %add3A_121 : i32
    %dma_wait3A_123 = arith.constant 0 : i32
    %dma_wait3A_124 = arith.constant 0 : i32
    %dma_wait3A_125 = tpu.memref_slice %arg9[%rem3A_120, %dma_wait3A_123, %dma_wait3A_124] : memref<4x80x128xf32, #tpu.memory_space<vmem>> -> memref<1x80x128xf32, #tpu.memory_space<vmem>>
    %dma_wait3A_126 = tpu.memref_squeeze %dma_wait3A_125 : memref<1x80x128xf32, #tpu.memory_space<vmem>> -> memref<80x128xf32, #tpu.memory_space<vmem>>
    %dma_wait3A_127 = arith.constant 0 : i32
    %dma_wait3A_128 = tpu.memref_slice %arg6[%add3A_122, %dma_wait3A_127] : memref<320000x128xf32, #tpu.memory_space<hbm>> -> memref<80x128xf32, #tpu.memory_space<hbm>>
    %dma_wait3A_129 = arith.constant 0 : i32
    %dma_wait3A_130 = tpu.memref_slice %arg6[%add3A_122, %dma_wait3A_129] : memref<320000x128xf32, #tpu.memory_space<hbm>> -> memref<80x128xf32, #tpu.memory_space<hbm>>
    %dma_wait3A_131 = arith.constant 0 : i32
    %dma_wait3A_132 = arith.constant 0 : i32
    %dma_wait3A_133 = tpu.memref_slice %arg9[%rem3A_120, %dma_wait3A_131, %dma_wait3A_132] : memref<4x80x128xf32, #tpu.memory_space<vmem>> -> memref<1x80x128xf32, #tpu.memory_space<vmem>>
    %dma_wait3A_134 = tpu.memref_squeeze %dma_wait3A_133 : memref<1x80x128xf32, #tpu.memory_space<vmem>> -> memref<80x128xf32, #tpu.memory_space<vmem>>
    tpu.wait_dma2 semaphore(%arg13 : memref<!tpu.dma_semaphore, #tpu.memory_space<semaphore_mem>>) src(%dma_wait3A_134 : memref<80x128xf32, #tpu.memory_space<vmem>>) dst(%dma_wait3A_130 : memref<80x128xf32, #tpu.memory_space<hbm>>)
    return
  }
}

module attributes {stable_mosaic.version = 14 : i64} {
  func.func @_nodeproj_body(%arg0: i32, %arg1: memref<1000x128xf32, #tpu.memory_space<vmem>>, %arg2: memref<128x128xf32, #tpu.memory_space<vmem>>, %arg3: memref<1x128xf32, #tpu.memory_space<vmem>>, %arg4: memref<128x128xf32, #tpu.memory_space<vmem>>, %arg5: memref<1000x128xf32, #tpu.memory_space<vmem>>, %arg6: memref<1000x128xf32, #tpu.memory_space<vmem>>) attributes {dimension_semantics = [#tpu.dimension_semantics<arbitrary>], iteration_bounds = array<i64: 10>, scalar_prefetch = 0 : i64, scratch_operands = 0 : i64, tpu.core_type = #tpu.core_type<tc>, window_params = [{transform_indices = @transform_0, window_bounds = array<i64: 1000, 128>}, {pipeline_mode = #tpu.pipeline_mode<synchronous>, transform_indices = @transform_1, window_bounds = array<i64: 128, 128>}, {pipeline_mode = #tpu.pipeline_mode<synchronous>, transform_indices = @transform_2, window_bounds = array<i64: 1, 128>}, {pipeline_mode = #tpu.pipeline_mode<synchronous>, transform_indices = @transform_3, window_bounds = array<i64: 128, 128>}, {transform_indices = @transform_4, window_bounds = array<i64: 1000, 128>}, {transform_indices = @transform_5, window_bounds = array<i64: 1000, 128>}]} {
    %get3A = arith.constant 0 : index
    %get3A_0 = arith.constant 0 : index
    %get3A_1 = vector.load %arg1[%get3A, %get3A_0] : memref<1000x128xf32, #tpu.memory_space<vmem>>, vector<1000x128xf32>
    %get3A_2 = arith.constant 0 : index
    %get3A_3 = arith.constant 0 : index
    %get3A_4 = vector.load %arg2[%get3A_2, %get3A_3] : memref<128x128xf32, #tpu.memory_space<vmem>>, vector<128x128xf32>
    %dot_general3A = arith.constant dense<0.000000e+00> : vector<1000x128xf32>
    %dot_general3A_5 = tpu.matmul %get3A_1, %get3A_4, %dot_general3A {dimension_numbers = #tpu.dot_dimension_numbers<[1], [0], [0], [1], [0, 0, 1, 1], [], []>, transpose_lhs_hint = false} : vector<1000x128xf32>, vector<128x128xf32>, vector<1000x128xf32> -> vector<1000x128xf32>
    %get3A_6 = arith.constant 0 : index
    %get3A_7 = arith.constant 0 : index
    %get3A_8 = vector.load %arg3[%get3A_6, %get3A_7] : memref<1x128xf32, #tpu.memory_space<vmem>>, vector<1x128xf32>
    %add3A = vector.broadcast %get3A_8 : vector<1x128xf32> to vector<1000x128xf32>
    %add3A_9 = arith.addf %dot_general3A_5, %add3A : vector<1000x128xf32>
    %swap3A = arith.constant 0 : index
    %swap3A_10 = arith.constant 0 : index
    %swap3A_11 = vector.load %arg5[%swap3A, %swap3A_10] : memref<1000x128xf32, #tpu.memory_space<vmem>>, vector<1000x128xf32>
    tpu.vector_store %arg5[%swap3A, %swap3A_10], %add3A_9 {strides = array<i32>} : memref<1000x128xf32, #tpu.memory_space<vmem>>, vector<1000x128xf32>,
    %get3A_12 = arith.constant 0 : index
    %get3A_13 = arith.constant 0 : index
    %get3A_14 = vector.load %arg4[%get3A_12, %get3A_13] : memref<128x128xf32, #tpu.memory_space<vmem>>, vector<128x128xf32>
    %dot_general3A_15 = arith.constant dense<0.000000e+00> : vector<1000x128xf32>
    %dot_general3A_16 = tpu.matmul %get3A_1, %get3A_14, %dot_general3A_15 {dimension_numbers = #tpu.dot_dimension_numbers<[1], [0], [0], [1], [0, 0, 1, 1], [], []>, transpose_lhs_hint = false} : vector<1000x128xf32>, vector<128x128xf32>, vector<1000x128xf32> -> vector<1000x128xf32>
    %swap3A_17 = arith.constant 0 : index
    %swap3A_18 = arith.constant 0 : index
    %swap3A_19 = vector.load %arg6[%swap3A_17, %swap3A_18] : memref<1000x128xf32, #tpu.memory_space<vmem>>, vector<1000x128xf32>
    tpu.vector_store %arg6[%swap3A_17, %swap3A_18], %dot_general3A_16 {strides = array<i32>} : memref<1000x128xf32, #tpu.memory_space<vmem>>, vector<1000x128xf32>,
    return
  }
  func.func @transform_0(%arg0: i32) -> (i32, i32) {
    %c0_i32 = arith.constant 0 : i32
    %c0_i32_0 = arith.constant 0 : i32
    return %arg0, %c0_i32 : i32, i32
  }
  func.func @transform_1(%arg0: i32) -> (i32, i32) {
    %c0_i32 = arith.constant 0 : i32
    %c0_i32_0 = arith.constant 0 : i32
    %c0_i32_1 = arith.constant 0 : i32
    return %c0_i32, %c0_i32_0 : i32, i32
  }
  func.func @transform_2(%arg0: i32) -> (i32, i32) {
    %c0_i32 = arith.constant 0 : i32
    %c0_i32_0 = arith.constant 0 : i32
    %c0_i32_1 = arith.constant 0 : i32
    return %c0_i32, %c0_i32_0 : i32, i32
  }
  func.func @transform_3(%arg0: i32) -> (i32, i32) {
    %c0_i32 = arith.constant 0 : i32
    %c0_i32_0 = arith.constant 0 : i32
    %c0_i32_1 = arith.constant 0 : i32
    return %c0_i32, %c0_i32_0 : i32, i32
  }
  func.func @transform_4(%arg0: i32) -> (i32, i32) {
    %c0_i32 = arith.constant 0 : i32
    %c0_i32_0 = arith.constant 0 : i32
    return %arg0, %c0_i32 : i32, i32
  }
  func.func @transform_5(%arg0: i32) -> (i32, i32) {
    %c0_i32 = arith.constant 0 : i32
    %c0_i32_0 = arith.constant 0 : i32
    return %arg0, %c0_i32 : i32, i32
  }
}

module attributes {stable_mosaic.version = 14 : i64} {
  func.func @_edge_body(%arg0: i32, %arg1: memref<2000x128xf32, #tpu.memory_space<vmem>>, %arg2: memref<2000x32xf32, #tpu.memory_space<vmem>>, %arg3: memref<2000x16xf32, #tpu.memory_space<vmem>>, %arg4: memref<32x64xf32, #tpu.memory_space<vmem>>, %arg5: memref<1x64xf32, #tpu.memory_space<vmem>>, %arg6: memref<64x64xf32, #tpu.memory_space<vmem>>, %arg7: memref<1x64xf32, #tpu.memory_space<vmem>>, %arg8: memref<64x128xf32, #tpu.memory_space<vmem>>, %arg9: memref<16x128xf32, #tpu.memory_space<vmem>>, %arg10: memref<128x80xf32, #tpu.memory_space<vmem>>, %arg11: memref<1x80xf32, #tpu.memory_space<vmem>>, %arg12: memref<80x4xf32, #tpu.memory_space<vmem>>, %arg13: memref<80x64xf32, #tpu.memory_space<vmem>>, %arg14: memref<4x64xf32, #tpu.memory_space<vmem>>, %arg15: memref<64x128xf32, #tpu.memory_space<vmem>>, %arg16: memref<4x128xf32, #tpu.memory_space<vmem>>, %arg17: memref<2000x128xf32, #tpu.memory_space<vmem>>) attributes {dimension_semantics = [#tpu.dimension_semantics<arbitrary>], iteration_bounds = array<i64: 160>, scalar_prefetch = 0 : i64, scratch_operands = 0 : i64, tpu.core_type = #tpu.core_type<tc>, window_params = [{transform_indices = @transform_0, window_bounds = array<i64: 2000, 128>}, {transform_indices = @transform_1, window_bounds = array<i64: 2000, 32>}, {transform_indices = @transform_2, window_bounds = array<i64: 2000, 16>}, {pipeline_mode = #tpu.pipeline_mode<synchronous>, transform_indices = @transform_3, window_bounds = array<i64: 32, 64>}, {pipeline_mode = #tpu.pipeline_mode<synchronous>, transform_indices = @transform_4, window_bounds = array<i64: 1, 64>}, {pipeline_mode = #tpu.pipeline_mode<synchronous>, transform_indices = @transform_5, window_bounds = array<i64: 64, 64>}, {pipeline_mode = #tpu.pipeline_mode<synchronous>, transform_indices = @transform_6, window_bounds = array<i64: 1, 64>}, {pipeline_mode = #tpu.pipeline_mode<synchronous>, transform_indices = @transform_7, window_bounds = array<i64: 64, 128>}, {pipeline_mode = #tpu.pipeline_mode<synchronous>, transform_indices = @transform_8, window_bounds = array<i64: 16, 128>}, {pipeline_mode = #tpu.pipeline_mode<synchronous>, transform_indices = @transform_9, window_bounds = array<i64: 128, 80>}, {pipeline_mode = #tpu.pipeline_mode<synchronous>, transform_indices = @transform_10, window_bounds = array<i64: 1, 80>}, {pipeline_mode = #tpu.pipeline_mode<synchronous>, transform_indices = @transform_11, window_bounds = array<i64: 80, 4>}, {pipeline_mode = #tpu.pipeline_mode<synchronous>, transform_indices = @transform_12, window_bounds = array<i64: 80, 64>}, {pipeline_mode = #tpu.pipeline_mode<synchronous>, transform_indices = @transform_13, window_bounds = array<i64: 4, 64>}, {pipeline_mode = #tpu.pipeline_mode<synchronous>, transform_indices = @transform_14, window_bounds = array<i64: 64, 128>}, {pipeline_mode = #tpu.pipeline_mode<synchronous>, transform_indices = @transform_15, window_bounds = array<i64: 4, 128>}, {transform_indices = @transform_16, window_bounds = array<i64: 2000, 128>}]} {
    %get3A = arith.constant 0 : index
    %get3A_0 = arith.constant 0 : index
    %get3A_1 = vector.load %arg2[%get3A, %get3A_0] : memref<2000x32xf32, #tpu.memory_space<vmem>>, vector<2000x32xf32>
    %get3A_2 = arith.constant 0 : index
    %get3A_3 = arith.constant 0 : index
    %get3A_4 = vector.load %arg4[%get3A_2, %get3A_3] : memref<32x64xf32, #tpu.memory_space<vmem>>, vector<32x64xf32>
    %dot_general3A = arith.constant dense<0.000000e+00> : vector<2000x64xf32>
    %dot_general3A_5 = tpu.matmul %get3A_1, %get3A_4, %dot_general3A {dimension_numbers = #tpu.dot_dimension_numbers<[1], [0], [0], [1], [0, 0, 1, 1], [], []>, transpose_lhs_hint = false} : vector<2000x32xf32>, vector<32x64xf32>, vector<2000x64xf32> -> vector<2000x64xf32>
    %get3A_6 = arith.constant 0 : index
    %get3A_7 = arith.constant 0 : index
    %get3A_8 = vector.load %arg5[%get3A_6, %get3A_7] : memref<1x64xf32, #tpu.memory_space<vmem>>, vector<1x64xf32>
    %add3A = vector.broadcast %get3A_8 : vector<1x64xf32> to vector<2000x64xf32>
    %add3A_9 = arith.addf %dot_general3A_5, %add3A : vector<2000x64xf32>
    %logistic3A = arith.negf %add3A_9 : vector<2000x64xf32>
    %logistic3A_10 = math.exp %logistic3A : vector<2000x64xf32>
    %logistic3A_11 = arith.constant 1.000000e+00 : f32
    %logistic3A_12 = vector.broadcast %logistic3A_11 : f32 to vector<2000x64xf32>
    %logistic3A_13 = arith.addf %logistic3A_12, %logistic3A_10 : vector<2000x64xf32>
    %logistic3A_14 = arith.divf %logistic3A_12, %logistic3A_13 : vector<2000x64xf32>
    %mul3A = arith.mulf %add3A_9, %logistic3A_14 : vector<2000x64xf32>
    %get3A_15 = arith.constant 0 : index
    %get3A_16 = arith.constant 0 : index
    %get3A_17 = vector.load %arg6[%get3A_15, %get3A_16] : memref<64x64xf32, #tpu.memory_space<vmem>>, vector<64x64xf32>
    %dot_general3A_18 = arith.constant dense<0.000000e+00> : vector<2000x64xf32>
    %dot_general3A_19 = tpu.matmul %mul3A, %get3A_17, %dot_general3A_18 {dimension_numbers = #tpu.dot_dimension_numbers<[1], [0], [0], [1], [0, 0, 1, 1], [], []>, transpose_lhs_hint = false} : vector<2000x64xf32>, vector<64x64xf32>, vector<2000x64xf32> -> vector<2000x64xf32>
    %get3A_20 = arith.constant 0 : index
    %get3A_21 = arith.constant 0 : index
    %get3A_22 = vector.load %arg7[%get3A_20, %get3A_21] : memref<1x64xf32, #tpu.memory_space<vmem>>, vector<1x64xf32>
    %add3A_23 = vector.broadcast %get3A_22 : vector<1x64xf32> to vector<2000x64xf32>
    %add3A_24 = arith.addf %dot_general3A_19, %add3A_23 : vector<2000x64xf32>
    %logistic3A_25 = arith.negf %add3A_24 : vector<2000x64xf32>
    %logistic3A_26 = math.exp %logistic3A_25 : vector<2000x64xf32>
    %logistic3A_27 = arith.constant 1.000000e+00 : f32
    %logistic3A_28 = vector.broadcast %logistic3A_27 : f32 to vector<2000x64xf32>
    %logistic3A_29 = arith.addf %logistic3A_28, %logistic3A_26 : vector<2000x64xf32>
    %logistic3A_30 = arith.divf %logistic3A_28, %logistic3A_29 : vector<2000x64xf32>
    %mul3A_31 = arith.mulf %add3A_24, %logistic3A_30 : vector<2000x64xf32>
    %get3A_32 = arith.constant 0 : index
    %get3A_33 = arith.constant 0 : index
    %get3A_34 = vector.load %arg8[%get3A_32, %get3A_33] : memref<64x128xf32, #tpu.memory_space<vmem>>, vector<64x128xf32>
    %dot_general3A_35 = arith.constant dense<0.000000e+00> : vector<2000x128xf32>
    %dot_general3A_36 = tpu.matmul %mul3A_31, %get3A_34, %dot_general3A_35 {dimension_numbers = #tpu.dot_dimension_numbers<[1], [0], [0], [1], [0, 0, 1, 1], [], []>, transpose_lhs_hint = false} : vector<2000x64xf32>, vector<64x128xf32>, vector<2000x128xf32> -> vector<2000x128xf32>
    %get3A_37 = arith.constant 0 : index
    %get3A_38 = arith.constant 0 : index
    %get3A_39 = vector.load %arg1[%get3A_37, %get3A_38] : memref<2000x128xf32, #tpu.memory_space<vmem>>, vector<2000x128xf32>
    %mul3A_40 = arith.mulf %get3A_39, %dot_general3A_36 : vector<2000x128xf32>
    %get3A_41 = arith.constant 0 : index
    %get3A_42 = arith.constant 0 : index
    %get3A_43 = vector.load %arg3[%get3A_41, %get3A_42] : memref<2000x16xf32, #tpu.memory_space<vmem>>, vector<2000x16xf32>
    %get3A_44 = arith.constant 0 : index
    %get3A_45 = arith.constant 0 : index
    %get3A_46 = vector.load %arg9[%get3A_44, %get3A_45] : memref<16x128xf32, #tpu.memory_space<vmem>>, vector<16x128xf32>
    %dot_general3A_47 = arith.constant dense<0.000000e+00> : vector<2000x128xf32>
    %dot_general3A_48 = tpu.matmul %get3A_43, %get3A_46, %dot_general3A_47 {dimension_numbers = #tpu.dot_dimension_numbers<[1], [0], [0], [1], [0, 0, 1, 1], [], []>, transpose_lhs_hint = false} : vector<2000x16xf32>, vector<16x128xf32>, vector<2000x128xf32> -> vector<2000x128xf32>
    %add3A_49 = arith.addf %mul3A_40, %dot_general3A_48 : vector<2000x128xf32>
    %get3A_50 = arith.constant 0 : index
    %get3A_51 = arith.constant 0 : index
    %get3A_52 = vector.load %arg10[%get3A_50, %get3A_51] : memref<128x80xf32, #tpu.memory_space<vmem>>, vector<128x80xf32>
    %dot_general3A_53 = arith.constant dense<0.000000e+00> : vector<2000x80xf32>
    %dot_general3A_54 = tpu.matmul %add3A_49, %get3A_52, %dot_general3A_53 {dimension_numbers = #tpu.dot_dimension_numbers<[1], [0], [0], [1], [0, 0, 1, 1], [], []>, transpose_lhs_hint = false} : vector<2000x128xf32>, vector<128x80xf32>, vector<2000x80xf32> -> vector<2000x80xf32>
    %get3A_55 = arith.constant 0 : index
    %get3A_56 = arith.constant 0 : index
    %get3A_57 = vector.load %arg11[%get3A_55, %get3A_56] : memref<1x80xf32, #tpu.memory_space<vmem>>, vector<1x80xf32>
    %add3A_58 = vector.broadcast %get3A_57 : vector<1x80xf32> to vector<2000x80xf32>
    %add3A_59 = arith.addf %dot_general3A_54, %add3A_58 : vector<2000x80xf32>
    %mul3A_60 = arith.constant 6.000000e-01 : f32
    %mul3A_61 = vector.broadcast %mul3A_60 : f32 to vector<2000x80xf32>
    %mul3A_62 = arith.mulf %mul3A_61, %add3A_59 : vector<2000x80xf32>
    %mul3A_63 = arith.constant 4.000000e-01 : f32
    %mul3A_64 = vector.broadcast %mul3A_63 : f32 to vector<2000x80xf32>
    %mul3A_65 = arith.mulf %mul3A_64, %add3A_59 : vector<2000x80xf32>
    %logistic3A_66 = arith.negf %add3A_59 : vector<2000x80xf32>
    %logistic3A_67 = math.exp %logistic3A_66 : vector<2000x80xf32>
    %logistic3A_68 = arith.constant 1.000000e+00 : f32
    %logistic3A_69 = vector.broadcast %logistic3A_68 : f32 to vector<2000x80xf32>
    %logistic3A_70 = arith.addf %logistic3A_69, %logistic3A_67 : vector<2000x80xf32>
    %logistic3A_71 = arith.divf %logistic3A_69, %logistic3A_70 : vector<2000x80xf32>
    %mul3A_72 = arith.constant 2.000000e+00 : f32
    %mul3A_73 = vector.broadcast %mul3A_72 : f32 to vector<2000x80xf32>
    %mul3A_74 = arith.mulf %mul3A_73, %logistic3A_71 : vector<2000x80xf32>
    %sub3A = arith.constant 1.000000e+00 : f32
    %sub3A_75 = vector.broadcast %sub3A : f32 to vector<2000x80xf32>
    %sub3A_76 = arith.subf %mul3A_74, %sub3A_75 : vector<2000x80xf32>
    %mul3A_77 = arith.mulf %mul3A_65, %sub3A_76 : vector<2000x80xf32>
    %add3A_78 = arith.addf %mul3A_62, %mul3A_77 : vector<2000x80xf32>
    %get3A_79 = arith.constant 0 : index
    %get3A_80 = arith.constant 0 : index
    %get3A_81 = vector.load %arg12[%get3A_79, %get3A_80] : memref<80x4xf32, #tpu.memory_space<vmem>>, vector<80x4xf32>
    %dot_general3A_82 = arith.constant dense<0.000000e+00> : vector<2000x4xf32>
    %dot_general3A_83 = tpu.matmul %add3A_78, %get3A_81, %dot_general3A_82 {dimension_numbers = #tpu.dot_dimension_numbers<[1], [0], [0], [1], [0, 0, 1, 1], [], []>, transpose_lhs_hint = false} : vector<2000x80xf32>, vector<80x4xf32>, vector<2000x4xf32> -> vector<2000x4xf32>
    %exp3A = math.exp %dot_general3A_83 : vector<2000x4xf32>
    %get3A_84 = arith.constant 0 : index
    %get3A_85 = arith.constant 0 : index
    %get3A_86 = vector.load %arg13[%get3A_84, %get3A_85] : memref<80x64xf32, #tpu.memory_space<vmem>>, vector<80x64xf32>
    %dot_general3A_87 = arith.constant dense<0.000000e+00> : vector<2000x64xf32>
    %dot_general3A_88 = tpu.matmul %add3A_59, %get3A_86, %dot_general3A_87 {dimension_numbers = #tpu.dot_dimension_numbers<[1], [0], [0], [1], [0, 0, 1, 1], [], []>, transpose_lhs_hint = false} : vector<2000x80xf32>, vector<80x64xf32>, vector<2000x64xf32> -> vector<2000x64xf32>
    %get3A_89 = arith.constant 0 : index
    %get3A_90 = arith.constant 0 : index
    %get3A_91 = vector.load %arg14[%get3A_89, %get3A_90] : memref<4x64xf32, #tpu.memory_space<vmem>>, vector<4x64xf32>
    %dot_general3A_92 = arith.constant dense<0.000000e+00> : vector<2000x64xf32>
    %dot_general3A_93 = tpu.matmul %exp3A, %get3A_91, %dot_general3A_92 {dimension_numbers = #tpu.dot_dimension_numbers<[1], [0], [0], [1], [0, 0, 1, 1], [], []>, transpose_lhs_hint = false} : vector<2000x4xf32>, vector<4x64xf32>, vector<2000x64xf32> -> vector<2000x64xf32>
    %mul3A_94 = arith.mulf %dot_general3A_88, %dot_general3A_93 : vector<2000x64xf32>
    %get3A_95 = arith.constant 0 : index
    %get3A_96 = arith.constant 0 : index
    %get3A_97 = vector.load %arg15[%get3A_95, %get3A_96] : memref<64x128xf32, #tpu.memory_space<vmem>>, vector<64x128xf32>
    %dot_general3A_98 = arith.constant dense<0.000000e+00> : vector<2000x128xf32>
    %dot_general3A_99 = tpu.matmul %mul3A_94, %get3A_97, %dot_general3A_98 {dimension_numbers = #tpu.dot_dimension_numbers<[1], [0], [0], [1], [0, 0, 1, 1], [], []>, transpose_lhs_hint = false} : vector<2000x64xf32>, vector<64x128xf32>, vector<2000x128xf32> -> vector<2000x128xf32>
    %get3A_100 = arith.constant 0 : index
    %get3A_101 = arith.constant 0 : index
    %get3A_102 = vector.load %arg16[%get3A_100, %get3A_101] : memref<4x128xf32, #tpu.memory_space<vmem>>, vector<4x128xf32>
    %dot_general3A_103 = arith.constant dense<0.000000e+00> : vector<2000x128xf32>
    %dot_general3A_104 = tpu.matmul %exp3A, %get3A_102, %dot_general3A_103 {dimension_numbers = #tpu.dot_dimension_numbers<[1], [0], [0], [1], [0, 0, 1, 1], [], []>, transpose_lhs_hint = false} : vector<2000x4xf32>, vector<4x128xf32>, vector<2000x128xf32> -> vector<2000x128xf32>
    %add3A_105 = arith.addf %dot_general3A_99, %dot_general3A_104 : vector<2000x128xf32>
    %swap3A = arith.constant 0 : index
    %swap3A_106 = arith.constant 0 : index
    %swap3A_107 = vector.load %arg17[%swap3A, %swap3A_106] : memref<2000x128xf32, #tpu.memory_space<vmem>>, vector<2000x128xf32>
    tpu.vector_store %arg17[%swap3A, %swap3A_106], %add3A_105 {strides = array<i32>} : memref<2000x128xf32, #tpu.memory_space<vmem>>, vector<2000x128xf32>,
    return
  }
  func.func @transform_0(%arg0: i32) -> (i32, i32) {
    %c0_i32 = arith.constant 0 : i32
    %c0_i32_0 = arith.constant 0 : i32
    return %arg0, %c0_i32 : i32, i32
  }
  func.func @transform_1(%arg0: i32) -> (i32, i32) {
    %c0_i32 = arith.constant 0 : i32
    %c0_i32_0 = arith.constant 0 : i32
    return %arg0, %c0_i32 : i32, i32
  }
  func.func @transform_2(%arg0: i32) -> (i32, i32) {
    %c0_i32 = arith.constant 0 : i32
    %c0_i32_0 = arith.constant 0 : i32
    return %arg0, %c0_i32 : i32, i32
  }
  func.func @transform_3(%arg0: i32) -> (i32, i32) {
    %c0_i32 = arith.constant 0 : i32
    %c0_i32_0 = arith.constant 0 : i32
    %c0_i32_1 = arith.constant 0 : i32
    return %c0_i32, %c0_i32_0 : i32, i32
  }
  func.func @transform_4(%arg0: i32) -> (i32, i32) {
    %c0_i32 = arith.constant 0 : i32
    %c0_i32_0 = arith.constant 0 : i32
    %c0_i32_1 = arith.constant 0 : i32
    return %c0_i32, %c0_i32_0 : i32, i32
  }
  func.func @transform_5(%arg0: i32) -> (i32, i32) {
    %c0_i32 = arith.constant 0 : i32
    %c0_i32_0 = arith.constant 0 : i32
    %c0_i32_1 = arith.constant 0 : i32
    return %c0_i32, %c0_i32_0 : i32, i32
  }
  func.func @transform_6(%arg0: i32) -> (i32, i32) {
    %c0_i32 = arith.constant 0 : i32
    %c0_i32_0 = arith.constant 0 : i32
    %c0_i32_1 = arith.constant 0 : i32
    return %c0_i32, %c0_i32_0 : i32, i32
  }
  func.func @transform_7(%arg0: i32) -> (i32, i32) {
    %c0_i32 = arith.constant 0 : i32
    %c0_i32_0 = arith.constant 0 : i32
    %c0_i32_1 = arith.constant 0 : i32
    return %c0_i32, %c0_i32_0 : i32, i32
  }
  func.func @transform_8(%arg0: i32) -> (i32, i32) {
    %c0_i32 = arith.constant 0 : i32
    %c0_i32_0 = arith.constant 0 : i32
    %c0_i32_1 = arith.constant 0 : i32
    return %c0_i32, %c0_i32_0 : i32, i32
  }
  func.func @transform_9(%arg0: i32) -> (i32, i32) {
    %c0_i32 = arith.constant 0 : i32
    %c0_i32_0 = arith.constant 0 : i32
    %c0_i32_1 = arith.constant 0 : i32
    return %c0_i32, %c0_i32_0 : i32, i32
  }
  func.func @transform_10(%arg0: i32) -> (i32, i32) {
    %c0_i32 = arith.constant 0 : i32
    %c0_i32_0 = arith.constant 0 : i32
    %c0_i32_1 = arith.constant 0 : i32
    return %c0_i32, %c0_i32_0 : i32, i32
  }
  func.func @transform_11(%arg0: i32) -> (i32, i32) {
    %c0_i32 = arith.constant 0 : i32
    %c0_i32_0 = arith.constant 0 : i32
    %c0_i32_1 = arith.constant 0 : i32
    return %c0_i32, %c0_i32_0 : i32, i32
  }
  func.func @transform_12(%arg0: i32) -> (i32, i32) {
    %c0_i32 = arith.constant 0 : i32
    %c0_i32_0 = arith.constant 0 : i32
    %c0_i32_1 = arith.constant 0 : i32
    return %c0_i32, %c0_i32_0 : i32, i32
  }
  func.func @transform_13(%arg0: i32) -> (i32, i32) {
    %c0_i32 = arith.constant 0 : i32
    %c0_i32_0 = arith.constant 0 : i32
    %c0_i32_1 = arith.constant 0 : i32
    return %c0_i32, %c0_i32_0 : i32, i32
  }
  func.func @transform_14(%arg0: i32) -> (i32, i32) {
    %c0_i32 = arith.constant 0 : i32
    %c0_i32_0 = arith.constant 0 : i32
    %c0_i32_1 = arith.constant 0 : i32
    return %c0_i32, %c0_i32_0 : i32, i32
  }
  func.func @transform_15(%arg0: i32) -> (i32, i32) {
    %c0_i32 = arith.constant 0 : i32
    %c0_i32_0 = arith.constant 0 : i32
    %c0_i32_1 = arith.constant 0 : i32
    return %c0_i32, %c0_i32_0 : i32, i32
  }
  func.func @transform_16(%arg0: i32) -> (i32, i32) {
    %c0_i32 = arith.constant 0 : i32
    %c0_i32_0 = arith.constant 0 : i32
    return %arg0, %c0_i32 : i32, i32
  }
}

module attributes {stable_mosaic.version = 14 : i64} {
  func.func @_outproj_body(%arg0: i32, %arg1: memref<1000x128xf32, #tpu.memory_space<vmem>>, %arg2: memref<1000x128xf32, #tpu.memory_space<vmem>>, %arg3: memref<128x64xf32, #tpu.memory_space<vmem>>, %arg4: memref<128x64xf32, #tpu.memory_space<vmem>>, %arg5: memref<64x128xf32, #tpu.memory_space<vmem>>, %arg6: memref<1x128xf32, #tpu.memory_space<vmem>>, %arg7: memref<1000x128xf32, #tpu.memory_space<vmem>>) attributes {dimension_semantics = [#tpu.dimension_semantics<arbitrary>], iteration_bounds = array<i64: 10>, scalar_prefetch = 0 : i64, scratch_operands = 0 : i64, tpu.core_type = #tpu.core_type<tc>, window_params = [{transform_indices = @transform_0, window_bounds = array<i64: 1000, 128>}, {transform_indices = @transform_1, window_bounds = array<i64: 1000, 128>}, {pipeline_mode = #tpu.pipeline_mode<synchronous>, transform_indices = @transform_2, window_bounds = array<i64: 128, 64>}, {pipeline_mode = #tpu.pipeline_mode<synchronous>, transform_indices = @transform_3, window_bounds = array<i64: 128, 64>}, {pipeline_mode = #tpu.pipeline_mode<synchronous>, transform_indices = @transform_4, window_bounds = array<i64: 64, 128>}, {pipeline_mode = #tpu.pipeline_mode<synchronous>, transform_indices = @transform_5, window_bounds = array<i64: 1, 128>}, {transform_indices = @transform_6, window_bounds = array<i64: 1000, 128>}]} {
    %get3A = arith.constant 0 : index
    %get3A_0 = arith.constant 0 : index
    %get3A_1 = vector.load %arg1[%get3A, %get3A_0] : memref<1000x128xf32, #tpu.memory_space<vmem>>, vector<1000x128xf32>
    %get3A_2 = arith.constant 0 : index
    %get3A_3 = arith.constant 0 : index
    %get3A_4 = vector.load %arg2[%get3A_2, %get3A_3] : memref<1000x128xf32, #tpu.memory_space<vmem>>, vector<1000x128xf32>
    %add3A = arith.addf %get3A_1, %get3A_4 : vector<1000x128xf32>
    %get3A_5 = arith.constant 0 : index
    %get3A_6 = arith.constant 0 : index
    %get3A_7 = vector.load %arg3[%get3A_5, %get3A_6] : memref<128x64xf32, #tpu.memory_space<vmem>>, vector<128x64xf32>
    %dot_general3A = arith.constant dense<0.000000e+00> : vector<1000x64xf32>
    %dot_general3A_8 = tpu.matmul %add3A, %get3A_7, %dot_general3A {dimension_numbers = #tpu.dot_dimension_numbers<[1], [0], [0], [1], [0, 0, 1, 1], [], []>, transpose_lhs_hint = false} : vector<1000x128xf32>, vector<128x64xf32>, vector<1000x64xf32> -> vector<1000x64xf32>
    %get3A_9 = arith.constant 0 : index
    %get3A_10 = arith.constant 0 : index
    %get3A_11 = vector.load %arg4[%get3A_9, %get3A_10] : memref<128x64xf32, #tpu.memory_space<vmem>>, vector<128x64xf32>
    %dot_general3A_12 = arith.constant dense<0.000000e+00> : vector<1000x64xf32>
    %dot_general3A_13 = tpu.matmul %add3A, %get3A_11, %dot_general3A_12 {dimension_numbers = #tpu.dot_dimension_numbers<[1], [0], [0], [1], [0, 0, 1, 1], [], []>, transpose_lhs_hint = false} : vector<1000x128xf32>, vector<128x64xf32>, vector<1000x64xf32> -> vector<1000x64xf32>
    %add3A_14 = arith.constant 1.000000e-16 : f32
    %add3A_15 = vector.broadcast %add3A_14 : f32 to vector<1000x64xf32>
    %add3A_16 = arith.addf %dot_general3A_13, %add3A_15 : vector<1000x64xf32>
    %div3A = arith.divf %dot_general3A_8, %add3A_16 : vector<1000x64xf32>
    %get3A_17 = arith.constant 0 : index
    %get3A_18 = arith.constant 0 : index
    %get3A_19 = vector.load %arg5[%get3A_17, %get3A_18] : memref<64x128xf32, #tpu.memory_space<vmem>>, vector<64x128xf32>
    %dot_general3A_20 = arith.constant dense<0.000000e+00> : vector<1000x128xf32>
    %dot_general3A_21 = tpu.matmul %div3A, %get3A_19, %dot_general3A_20 {dimension_numbers = #tpu.dot_dimension_numbers<[1], [0], [0], [1], [0, 0, 1, 1], [], []>, transpose_lhs_hint = false} : vector<1000x64xf32>, vector<64x128xf32>, vector<1000x128xf32> -> vector<1000x128xf32>
    %get3A_22 = arith.constant 0 : index
    %get3A_23 = arith.constant 0 : index
    %get3A_24 = vector.load %arg6[%get3A_22, %get3A_23] : memref<1x128xf32, #tpu.memory_space<vmem>>, vector<1x128xf32>
    %add3A_25 = vector.broadcast %get3A_24 : vector<1x128xf32> to vector<1000x128xf32>
    %add3A_26 = arith.addf %dot_general3A_21, %add3A_25 : vector<1000x128xf32>
    %swap3A = arith.constant 0 : index
    %swap3A_27 = arith.constant 0 : index
    %swap3A_28 = vector.load %arg7[%swap3A, %swap3A_27] : memref<1000x128xf32, #tpu.memory_space<vmem>>, vector<1000x128xf32>
    tpu.vector_store %arg7[%swap3A, %swap3A_27], %add3A_26 {strides = array<i32>} : memref<1000x128xf32, #tpu.memory_space<vmem>>, vector<1000x128xf32>,
    return
  }
  func.func @transform_0(%arg0: i32) -> (i32, i32) {
    %c0_i32 = arith.constant 0 : i32
    %c0_i32_0 = arith.constant 0 : i32
    return %arg0, %c0_i32 : i32, i32
  }
  func.func @transform_1(%arg0: i32) -> (i32, i32) {
    %c0_i32 = arith.constant 0 : i32
    %c0_i32_0 = arith.constant 0 : i32
    return %arg0, %c0_i32 : i32, i32
  }
  func.func @transform_2(%arg0: i32) -> (i32, i32) {
    %c0_i32 = arith.constant 0 : i32
    %c0_i32_0 = arith.constant 0 : i32
    %c0_i32_1 = arith.constant 0 : i32
    return %c0_i32, %c0_i32_0 : i32, i32
  }
  func.func @transform_3(%arg0: i32) -> (i32, i32) {
    %c0_i32 = arith.constant 0 : i32
    %c0_i32_0 = arith.constant 0 : i32
    %c0_i32_1 = arith.constant 0 : i32
    return %c0_i32, %c0_i32_0 : i32, i32
  }
  func.func @transform_4(%arg0: i32) -> (i32, i32) {
    %c0_i32 = arith.constant 0 : i32
    %c0_i32_0 = arith.constant 0 : i32
    %c0_i32_1 = arith.constant 0 : i32
    return %c0_i32, %c0_i32_0 : i32, i32
  }
  func.func @transform_5(%arg0: i32) -> (i32, i32) {
    %c0_i32 = arith.constant 0 : i32
    %c0_i32_0 = arith.constant 0 : i32
    %c0_i32_1 = arith.constant 0 : i32
    return %c0_i32, %c0_i32_0 : i32, i32
  }
  func.func @transform_6(%arg0: i32) -> (i32, i32) {
    %c0_i32 = arith.constant 0 : i32
    %c0_i32_0 = arith.constant 0 : i32
    return %arg0, %c0_i32 : i32, i32
  }
}

</mosaic_0001>

<sc_bundles>
// kernel: kernel.10.cloned.1.call-start
scs
__scs_entry_jumppad:
0x0: {  	(pc) =	sbr.rel $0x88, $3  }
0x1: {  	(tag) =	ssettag $0x0;
	lr =	simm.s32 $0x1  }
0x2: {  	[smem:$0x3F8E] =	sst lr;
	_ =	strace $0xD0000000  }
0x3: {  	_ = 	snop  }
0x4: {  	_ = 	snop  }
0x5: {  	_ = 	snop  }
0x6: {  	_ = 	snop  }
0x7: {  	_ = 	snop  }
__scs_overlays_trampoline_lowered:
0x8: {  	[smem:$0x3F9D] =	sst s0  }
0x9: {  	[smem:$0x3F9E] =	sst s1  }
0xa: {  	[smem:$0x3F9F] =	sst s2  }
0xb: {  	[smem:$0x3FA0] =	sst s3  }
0xc: {  	[smem:$0x3FA1] =	sst s4  }
0xd: {  	[smem:$0x3FA2] =	sst s5  }
0xe: {  	[smem:$0x3FA3] =	sst s6  }
0xf: {  	[smem:$0x3FA4] =	sst s7  }
0x10: {  	[smem:$0x3FA5] =	sst s8  }
0x11: {  	[smem:$0x3FA6] =	sst s9;
	s0 =	simm.s32 @!p0 $0x0  }
0x12: {  	s1 =	sld [smem:$0x3F8C];
	s0 =	simm.s32 @p0 $0x1  }
0x13: {  	[smem:$0x3FA7] =	sst s0;
	s0 =	simm.s32 @!p1 $0x0  }
0x14: {  	s2 =	sld [smem:$0x3F8B];
	s0 =	simm.s32 @p1 $0x1  }
0x15: {  	[smem:$0x3FA8] =	sst s0;
	s0 =	simm.s32 @!p2 $0x0  }
0x16: {  	s3 =	sld [smem:$0x3FDB];
	s0 =	simm.s32 @p2 $0x1  }
0x17: {  	s4 =	simm.s32 $0x1BF5;
	[smem:$0x3FAA] =	sst s0  }
0x18: {  	s0 =	sld [smem:$0x3F8D];
	_ =	swait.ge [sflag:s4], $0x0  }
0x19: {  	s7 =	sld [smem:$0x3F8E]  }
0x1a: {  	s8 =	sadd.s32 $0xFFFFE003, lr  }
0x1b: {  	s9 =	sadd.s32 $0xFFFFFEF7, lr;
	s5 =	simm.s32 $0xFFFFFFFF;
	p2 =	slt.u32 s8, $0xFFFFF086  }
0x1c: {  	p1 =	slt.u32 s9, $0xF7A;
	s5 =	simm.s32 @!p2 $0x0  }
0x1d: {  	s5 =	simm.s32 @p1 $0x1;
	p0 =	seq.s32 s7, s2  }
0x1e: {  	s7 =	smul.u32 @!p0 $0xF7A, s2;
	p2 =	seq.s32 @!p0 s5, $0x0  }
0x1f: {  	s9 =	smul.u32 $0xF7A, s1;
	s8 =	simm.s32 @!p0 $0x1BF5;
	p2 =	por !p2, p0  }
0x20: {  	[sflag:s8] =	ssyncset.s32 @!p0 $0xFFFFF086;
	s6 =	sadd.s32 @!p0 s3, s7;
	s7 =	simm.s32 @!p0 $0x108  }
0x21: {  	s3 =	sadd.s32 s3, s9;
	s6 =	sadd.s32 @!p0 $0x88, s6;
	s7 =	simm.s32 @p2 $0x1082  }
0x22: {  	[simem:s7], [sflag:s8] =	dma.local @!p0 [hbm:s6], $0xF7A  }
0x23: {  	s9 =	sor.u32 $0xD0000000, s2;
	s6 =	simm.s32 $0x108;
	_ =	swait.ge @!p0 [sflag:s8], $0x0  }
0x24: {  	s3 =	sadd.s32 $0x88, s3;
	s6 =	simm.s32 @!p1 $0x1082;
	[sflag:s4] =	ssyncset.s32 $0xFFFFF086  }
0x25: {  	[simem:s6], [sflag:s4] =	dma.local [hbm:s3], $0xF7A  }
0x26: {  	[smem:$0x3F8E] =	sst s1;
	(tag) =	ssettag s2;
	_ =	strace s9  }
0x27: {  	s1 =	sld [smem:$0x3F9E]  }
0x28: {  	s2 =	sld [smem:$0x3F9F]  }
0x29: {  	s4 =	sld [smem:$0x3FA1]  }
0x2a: {  	p0 =	seq.s32 s5, $0x0;
	s5 =	sld [smem:$0x3FA2]  }
0x2b: {  	s6 =	sld [smem:$0x3FA3]  }
0x2c: {  	s7 =	sld [smem:$0x3FA4]  }
0x2d: {  	s3 =	simm.s32 $0x108;
	s8 =	sld [smem:$0x3FA5]  }
0x2e: {  	s3 =	simm.s32 @!p0 $0x1082;
	s9 =	sld [smem:$0x3FA6]  }
0x2f: {  	lr =	sadd.s32 s0, s3;
	s0 =	sld [smem:$0x3F9D]  }
0x30: {  	s3 =	sld [smem:$0x3FA0]  }
0x31: {  	[smem:$0x3FA9] =	sst s10  }
0x32: {  	s10 =	sld [smem:$0x3FA7];
	_ =	sdelay $0x3  }
0x33: {  	p0 =	seq.s32 s10, $0x1;
	s10 =	sld [smem:$0x3FA9];
	_ =	sdelay $0x3  }
0x34: {  	[smem:$0x3FA9] =	sst s10  }
0x35: {  	s10 =	sld [smem:$0x3FA8];
	_ =	sdelay $0x3  }
0x36: {  	p1 =	seq.s32 s10, $0x1;
	s10 =	sld [smem:$0x3FA9];
	_ =	sdelay $0x3  }
0x37: {  	[smem:$0x3FA9] =	sst s10  }
0x38: {  	s10 =	sld [smem:$0x3FAA]  }
0x39: {  	_ = 	snop;
	(pc) =	sbr.ind lr, $3  }
0x3a: {  	_ = 	snop  }
0x3b: {  	_ = 	snop  }
0x3c: {  	p2 =	seq.s32 s10, $0x1;
	s10 =	sld [smem:$0x3FA9]  }
0x3d: {  	_ =	shalt  }
0x3e: {  	_ =	shalt  }
0x3f: {  	_ =	shalt  }
0x40: {  	_ =	shalt  }
0x41: {  	_ =	shalt  }
0x42: {  	_ =	shalt  }
0x43: {  	_ =	shalt  }
0x44: {  	_ =	shalt  }
0x45: {  	_ =	shalt  }
0x46: {  	_ =	shalt  }
0x47: {  	_ =	shalt  }
0x48: {  	_ =	shalt  }
0x49: {  	_ =	shalt  }
0x4a: {  	_ =	shalt  }
0x4b: {  	_ =	shalt  }
0x4c: {  	_ =	shalt  }
0x4d: {  	_ =	shalt  }
0x4e: {  	_ =	shalt  }
0x4f: {  	_ =	shalt  }
0x50: {  	_ =	shalt  }
0x51: {  	_ =	shalt  }
0x52: {  	_ =	shalt  }
0x53: {  	_ =	shalt  }
0x54: {  	_ =	shalt  }
0x55: {  	_ =	shalt  }
0x56: {  	_ =	shalt  }
0x57: {  	_ =	shalt  }
0x58: {  	_ =	shalt  }
0x59: {  	_ =	shalt  }
0x5a: {  	_ =	shalt  }
0x5b: {  	_ =	shalt  }
0x5c: {  	_ =	shalt  }
0x5d: {  	_ =	shalt  }
0x5e: {  	_ =	shalt  }
0x5f: {  	_ =	shalt  }
0x60: {  	_ =	shalt  }
0x61: {  	_ =	shalt  }
0x62: {  	_ =	shalt  }
0x63: {  	_ =	shalt  }
0x64: {  	_ =	shalt  }
0x65: {  	_ =	shalt  }
0x66: {  	_ =	shalt  }
0x67: {  	_ =	shalt  }
0x68: {  	_ =	shalt  }
0x69: {  	_ =	shalt  }
0x6a: {  	_ =	shalt  }
0x6b: {  	_ =	shalt  }
0x6c: {  	_ =	shalt  }
0x6d: {  	_ =	shalt  }
0x6e: {  	_ =	shalt  }
0x6f: {  	_ =	shalt  }
0x70: {  	_ =	shalt  }
0x71: {  	_ =	shalt  }
0x72: {  	_ =	shalt  }
0x73: {  	_ =	shalt  }
0x74: {  	_ =	shalt  }
0x75: {  	_ =	shalt  }
0x76: {  	_ =	shalt  }
0x77: {  	_ =	shalt  }
0x78: {  	_ =	shalt  }
0x79: {  	_ =	shalt  }
0x7a: {  	_ =	shalt  }
0x7b: {  	_ =	shalt  }
0x7c: {  	_ =	shalt  }
0x7d: {  	_ =	shalt  }
0x7e: {  	_ =	shalt  }
0x7f: {  	_ =	shalt  }
0x80: {  	_ =	shalt  }
0x81: {  	_ =	shalt  }
0x82: {  	_ =	shalt  }
0x83: {  	_ =	shalt  }
0x84: {  	_ =	shalt  }
0x85: {  	_ =	shalt  }
0x86: {  	_ =	shalt  }
0x87: {  	_ =	shalt  }
.Lfunc_end0:
.L_simem_size_0:
called_computation.1_lowered:
.L_overlay_start_0:
0x88: {  	s2 =	sld [smem:$0x3FD9]  }
0x89: {  	s3 =	sld [smem:$0x3FFE];
	_ =	sdelay $0x1  }
0x8a: {  	s1 =	srdreg.scid  }
0x8b: {  	s0 =	sand.u32 $0x1, s1  }
0x8c: {  	s16 =	sshll.u32 s0, $0xA;
	s2 =	sadd.s32 s3, s2  }
0x8d: {  	s2 =	sadd.s32 s2, s16  }
0x8e: {  	[smem:$0x3FB5] =	sst s2  }
0x8f: {  	_ = 	snop  }
0x90: {  	(tm) =	ssettm $0x1  }
0x91: {  	s17 =	sld [smem:$0x3FFB];
	_ =	sdelay $0x3  }
0x92: {  	_ =	strace s17  }
0x93: {  	s2 =	sld [smem:$0x3FFC];
	_ =	sdelay $0x3  }
0x94: {  	_ =	strace s2  }
0x95: {  	s2 =	sld [smem:$0x3FFD];
	_ =	sdelay $0x3  }
0x96: {  	_ =	strace s2  }
0x97: {  	_ =	strace $0x8FFFFFFF  }
0x98: {  	s18 =	sld [smem:$0x3FDB];
	_ =	sdelay $0x1  }
0x99: {  	s19 =	simm.s32 $_scs_section_size  }
0x9a: {  	s4 =	simm.s32 $_size__tile_overlayer_lowered;
	s5 =	simm.s32 $_tile_overlayer_lowered  }
0x9b: {  	s22 =	simm.s32 $0x1BFF;
	s21 =	sshll.u32 s5, $0x1;
	s2 =	sadd.s32 s19, s18  }
0x9c: {  	s6 =	simm.s32 $0x0;
	s20 =	sshll.u32 s4, $0x1;
	s4 =	sadd.s32 s21, s2  }
0x9d: {  	[timem:s6], [sflag:s22] =	dma.local [hbm:s4], s20  }
0x9e: {  	_ =	swait.ge [sflag:s22], s20  }
0x9f: {  	s3 =	ssub.s32 $0x0, s20;
	[sflag:s22] =	ssyncset.done $0x0  }
0xa0: {  	[sflag:s22] =	ssyncadd.s32 s3;
	_ =	sdelay $0x1  }
0xa1: {  	s23 =	simm.s32 $0x1B8B  }
0xa2: {  	_ =	swait.ge [sflag:s23], $0x1  }
0xa3: {  	[sflag:s23] =	ssyncset.done $0x0  }
0xa4: {  	s25 =	simm.s32 $0x1B8E;
	s24 =	sld [smem:$0x3FFE];
	[sflag:s23] =	ssyncadd.s32 $0xFFFFFFFF  }
0xa5: {  	s26 =	simm.s32 $execute0_lowered;
	[smem:$0x3FD2] =	sst s25  }
0xa6: {  	s4 =	sshll.u32 s26, $0x1;
	_ =	strace $0x80000049;
	[dreg:$0x1] =	wrdreg $0xFFFFFFFF  }
0xa7: {  	s28 =	simm.s32 $_size_execute0_lowered;
	s2 =	sadd.s32 s2, s4;
	[dreg:$0x0] =	wrdreg $0x0  }
0xa8: {  	s4 =	sshll.u32 s28, $0x1;
	[dreg:$0x2] =	wrdreg s2  }
0xa9: {  	[dreg:$0x3] =	wrdreg s4  }
0xaa: {  	[dreg:$0x4] =	wrdreg $0xC0  }
0xab: {  	_ =	task [dreg:s6], $0x5FFFF  }
0xac: {  	[dreg:$0x1] =	wrdreg $0xFFFFFFFF  }
0xad: {  	[dreg:$0x0] =	wrdreg $0x60  }
0xae: {  	[dreg:$0x2] =	wrdreg s24  }
0xaf: {  	[dreg:$0x3] =	wrdreg $0xB8000  }
0xb0: {  	[dreg:$0x4] =	wrdreg $0x9  }
0xb1: {  	_ =	task.clear_ibuf [dreg:s6], $0x5FFFF;
	_ =	strace $0x90000049  }
0xb2: {  	s29 =	simm.s32 $0x9;
	_ =	strace $0x8000004B  }
0xb3: {  	_ =	swait.ge [sflag:s29], $0x1  }
0xb4: {  	[sflag:s29] =	ssyncadd.s32 $0xFFFFFFFF  }
0xb5: {  	_ =	strace $0x9000004B  }
0xb6: {  	_ =	sfence  }
0xb7: {  	s30 =	sld [smem:$0x0];
	_ =	sdelay $0x2  }
0xb8: {  	s31 =	sshll.u32 s1, $0xD;
	s1 =	sshrl.u32 s1, $0x2  }
0xb9: {  	s3 =	sand.u32 $0x4000, s31;
	s1 =	sadd.s32 s1, s30  }
0xba: {  	s0 =	sor.u32 s3, s0;
	s1 =	sshll.u32 s1, $0x11  }
0xbb: {  	s0 =	sor.u32 s1, s0  }
0xbc: {  	s0 =	sadd.s32 $0x8F2B, s0  }
0xbd: {  	[sflag:s0] =	ssyncadd.remote.s32 $0x1  }
0xbe: {  	_ =	sfence.sel $0xFFFF  }
0xbf: {  	[dreg:$0x0] =	wrdreg $0xFFFFFFFF;
	(pc) =	sbr.abs _section_cstart, $3  }
0xc0: {  	[dreg:$0x1] =	wrdreg $0xFFFFFFFF  }
0xc1: {  	_ =	task.clear_ibuf [dreg:s6], $0x2FFFF;
	_ =	strace $0x9FFFFFFF  }
0xc2: {  	(tm) =	ssettm $0x7FFFFFFF  }
0xc3: {  	_ =	shalt  }
tec
execute0_lowered:
.L_overlay_start_1:
0x0: {  	(tag) =	ssettag $0x1  }
0x1: {  	s4 =	rddreg [dreg:$0x0]  }
0x2: {  	s2 =	rddreg [dreg:$0x1]  }
0x3: {  	s5 =	srdreg.scid;
	s0 =	stileid.u32  }
0x4: {  	s3 =	simm.s32 $0x0;
	s17 =	simm.s32 $0x9000;
	s18 =	simm.s32 $0x1  }
0x5: {  	s19 =	simm.s32 $0x50;
	s20 =	simm.s32 $0x0;
	s24 =	smul.u32 $0x14000, s0  }
0x6: {  	s8 =	sand.u32 $0x1, s5;
	s23 =	sshll.u32 s0, $0x1;
	s12 =	smul.u32 $0x50000, s0  }
0x7: {  	[smem:$0x7FF] =	sst s3;
	s10 =	sadd.s32 $0xEF0E00, s4;
	s31 =	smul.u32 $0x4E200, s0  }
0x8: {  	s28 =	sshll.u32 s0, $0x6;
	s6 =	sor.u32 s8, s23;
	s9 =	smul.u32 $0x140000, s8  }
0x9: {  	_ =	strace $0x8000004A;
	s25 =	ssub.s32 $0x2, s8;
	s16 =	smul.u32 $0x27100, s8  }
0xa: {  	s7 =	sshll.u32 s6, $0xB;
	s11 =	sshrl.u32 s24, $0x3;
	s29 =	smul.u32 $0x138800, s6  }
0xb: {  	s13 =	sshrl.u32 s25, $0x1;
	s26 =	sshrl.u32 s12, $0x2;
	s30 =	smul.u32 $0x27100, s6  }
0xc: {  	s12 =	sadd.s32 s31, s10;
	s7 =	sadd.s32 s7, s4;
	s5 =	sadd.s32 s24, s9  }
0xd: {  	s11 =	sadd.s32 s11, s4;
	s13 =	ssub.s32 s25, s13;
	s15 =	sadd.s32 s26, s2  }
0xe: {  	s12 =	sadd.s32 s16, s12;
	s16 =	simm.s32 $0x6800;
	s5 =	sshrl.u32 s5, $0x3  }
0xf: {  	s6 =	sadd.s32 $0x3C00, s7;
	s9 =	sshrl.u32 s29, $0x3;
	s7 =	sadd.s32 s10, s30  }
0x10: {  	s12 =	sadd.s32 $0xF00, s12;
	s14 =	sadd.s32 s5, s4;
	s4 =	sadd.s32 $0x13C00, s11  }
0x11: {  	s5 =	sor.u32 $0x1C02, s28;
	s9 =	sadd.s32 s10, s9;
	s11 =	smax.u32 s13, $0x1  }
0x12: {  	s13 =	sshrl.u32 s15, $0x3;
	s15 =	simm.s32 $0x4000;
	s8 =	sadd.s32 $0x500, s9  }
0x13: {  	s9 =	sadd.s32 $0xA00, s9;
	s10 =	sadd.s32 $0x3BC00, s14;
	s14 =	simm.s32 $0x2  }
.LBB2_1:
0x14: {  	[spmem:s13], [sflag:s5] =	dma.local [hbm:s4], $0x2800  }
0x15: {  	s21 =	smul.u32 $0xAB, s3  }
0x16: {  	_ =	swait.ge [sflag:s14], $0x2800  }
0x17: {  	[sflag:s14] =	ssyncset.done $0x0;
	s21 =	sshrl.u32 s21, $0x9  }
0x18: {  	[sflag:s14] =	ssyncadd.s32 $0xFFFFD800;
	s21 =	sand.u32 $0x7F, s21  }
0x19: {  	[tilespmem:s3], [sflag:$0x2] =	stream.linear.gather [hbm4b:s6+s3], $0x3E80, $0x38;
	[tilespmem:$0x1F800] =	vst v63  }
0x1a: {  	s25 =	simm.s32 $0x2;
	s22 =	smul.u32 $0x3, s21;
	_ =	swait.ge [sflag:s14], $0x3E80  }
0x1b: {  	p0 =	por $0x0, $0x0;
	s21 =	simm.s32 $0x1;
	[sflag:s14] =	ssyncset.done $0x0  }
0x1c: {  	s23 =	smul.u32 $0xAB, s21;
	s22 =	ssub.s32 $0x0, s22;
	[sflag:s14] =	ssyncadd.s32 $0xFFFFC180  }
0x1d: {  	[tilespmem:s15], [sflag:$0x1] =	stream.linear.gather [hbm4b:s7+s3], $0x2800, $0x38;
	[tilespmem:$0x1F800] =	vst v63  }
0x1e: {  	s28 =	simm.s32 $0x0;
	s22 =	sand.u32 $0xFF, s22;
	s23 =	sshrl.u32 s23, $0x9  }
0x1f: {  	[tilespmem:s16], [sflag:$0x1] =	stream.linear.gather [hbm4b:s8+s3], $0x2800, $0x38;
	[tilespmem:$0x1F800] =	vst v63  }
0x20: {  	s24 =	simm.s32 @!p0 $0x0;
	s22 =	smul.u32 $0xA000, s22;
	s31 =	sand.u32 $0x7F, s23  }
0x21: {  	[tilespmem:s17], [sflag:$0x1] =	stream.linear.gather [hbm4b:s9+s3], $0x2800, $0x38;
	[tilespmem:$0x1F800] =	vst v63  }
0x22: {  	s23 =	simm.s32 $0x0;
	s29 =	smul.u32 $0x3, s31;
	[bflag:$0x0] =	sbarrier.arrive $0xFFFF  }
0x23: {  	s26 =	sshrl.u32 s22, $0x2;
	s22 =	smov.u32 s12;
	_ =	swait.ge [sflag:s18], $0x2800  }
.LBB2_2:
0x24: {  	s23 =	sadd.s32 $0x80, s23  }
0x25: {  	s30 =	smov.u32 s21;
	s21 =	smov.u32 s25;
	s25 =	sadd.s32 $0x1, s25  }
0x26: {  	s31 =	smov.u32 s22;
	s22 =	sadd.s32 $0x500, s22;
	p1 =	por p0, p0  }
0x27: {  	s0 =	sadd.s32 $0x4000, s26;
	s29 =	ssub.s32 s30, s29;
	[sflag:s18] =	ssyncset.done $0x0  }
0x28: {  	s1 =	smul.u32 $0xAB, s21;
	s26 =	sand.u32 $0xFF, s29;
	[sflag:s18] =	ssyncadd.s32 $0xFFFFD800  }
0x29: {  	p2 =	sne.s32 s25, $0x7D;
	s26 =	smul.u32 $0xA000, s26  }
0x2a: {  	[spmem:s2] =	stream.indirect.scatter.add.f32 [tilespmem:s0], [sflag:$0x2], $0x80, s28, s19, $0xb8;
	[tilespmem:$0x1F800] =	vst v63  }
.Ltmp0:
0x2b: {  	s26 =	sshrl.u32 s26, $0x2;
	_ =	swait.ge [sflag:s14], $0x2800;
	(pc) =	sbr.rel @p2 .LBB2_2-.Ltmp0, $4  }
0x2c: {  	s1 =	sshrl.u32 s1, $0x9;
	s28 =	smov.u32 s23;
	[sflag:s14] =	ssyncset.done $0x0  }
0x2d: {  	p0 =	sgt.u32 s30, $0x79;
	s1 =	sand.u32 $0x7F, s1;
	[sflag:s14] =	ssyncadd.s32 $0xFFFFD800  }
0x2e: {  	[tilespmem:s0], [sflag:$0x1] =	stream.linear.gather @!p1 [hbm4b:s31+s24], $0x2800, $0x38;
	[tilespmem:$0x1F800] =	vst v63  }
0x2f: {  	s29 =	smul.u32 $0x3, s1;
	s24 =	simm.s32 @!p0 $0x0;
	_ =	swait.ge [sflag:s18], $0x2800  }
0x30: {  	[sflag:s18] =	ssyncset.done $0x0  }
0x31: {  	s0 =	sadd.s32 $0x4000, s26;
	[sflag:s18] =	ssyncadd.s32 $0xFFFFD800  }
0x32: {  	[spmem:s2] =	stream.indirect.scatter.add.f32 [tilespmem:s0], [sflag:$0x2], $0x80, s28, s19, $0xb8;
	[tilespmem:$0x1F800] =	vst v63  }
0x33: {  	s1 =	ssub.s32 s21, s29;
	_ =	swait.ge [sflag:s14], $0x2800  }
0x34: {  	s1 =	sand.u32 $0xFF, s1;
	[sflag:s14] =	ssyncset.done $0x0  }
0x35: {  	p0 =	por p0, p0;
	s1 =	smul.u32 $0xA000, s1;
	[sflag:s14] =	ssyncadd.s32 $0xFFFFD800  }
0x36: {  	[tilespmem:s0], [sflag:$0x1] =	stream.linear.gather @!p0 [hbm4b:s22+s24], $0x2800, $0x38;
	[tilespmem:$0x1F800] =	vst v63  }
0x37: {  	_ =	swait.ge [sflag:s18], $0x2800  }
0x38: {  	s30 =	sshrl.u32 s1, $0x2;
	[sflag:s18] =	ssyncset.done $0x0  }
0x39: {  	s31 =	sadd.s32 $0x80, s23;
	s0 =	sadd.s32 $0x4000, s30;
	[sflag:s18] =	ssyncadd.s32 $0xFFFFD800  }
0x3a: {  	[spmem:s2] =	stream.indirect.scatter.add.f32 [tilespmem:s0], [sflag:$0x2], $0x80, s31, s19, $0xb8;
	[tilespmem:$0x1F800] =	vst v63  }
0x3b: {  	s20 =	sadd.s32 $0x1, s20;
	_ =	swait.ge [sflag:s14], $0x2800  }
0x3c: {  	s1 =	sadd.s32 $0x500, s22;
	p0 =	sgt.u32 s21, $0x79;
	[sflag:s14] =	ssyncset.done $0x0  }
0x3d: {  	s21 =	simm.s32 @!p0 $0x0;
	p0 =	por p0, p0;
	[sflag:s14] =	ssyncadd.s32 $0xFFFFD800  }
0x3e: {  	[tilespmem:s0], [sflag:$0x1] =	stream.linear.gather @!p0 [hbm4b:s1+s21], $0x2800, $0x38;
	[tilespmem:$0x1F800] =	vst v63  }
0x3f: {  	p0 =	sne.s32 s20, s11  }
.Ltmp1:
0x40: {  	[bflag:$0x0] =	sbarrier.arrive $0xFFFF;
	(pc) =	sbr.rel @p0 .LBB2_1-.Ltmp1, $4  }
0x41: {  	[hbm:s10], [sflag:s5] =	dma.local [spmem:s13], $0x2800  }
0x42: {  	_ =	swait.ge [sflag:s14], $0x2800  }
0x43: {  	[sflag:s14] =	ssyncset.done $0x0  }
0x44: {  	[sflag:s14] =	ssyncadd.s32 $0xFFFFD800  }
0x45: {  	_ =	sfence.sel $0x180000  }
0x46: {  	[bflag:$0x0] =	sbarrier.arrive $0xFFFF  }
0x47: {  	_ =	strace $0x9000004A  }
0x48: {  	s0 =	stileid.u32;
	[bflag:$0x2] =	sbarrier.arrive $0xFFFF  }
0x49: {  	p0 =	sne.s32 s0, $0x0;
	s0 =	rddreg [dreg:$0x2]  }
0x4a: {  	s0 =	sadd.s32 @!p0 $0x100000, s0  }
0x4b: {  	[sflag:s0] =	ssyncadd.tile.s32 @!p0 $0x1;
	_ =	shalt  }
.Lfunc_end2:
_tile_overlayer_lowered:
.L_overlay_start_2:
0x4c: {  	(tag) =	ssettag $0x2  }
0x4d: {  	s0 =	rddreg [dreg:$0x0];
	s2 =	stileid.u32  }
0x4e: {  	s1 =	rddreg [dreg:$0x1];
	p0 =	sne.s32 s2, $0x0  }
0x4f: {  	s3 =	rddreg [dreg:$0x2];
	[bflag:$0x3] =	sbarrier.arrive $0xFFFF;
	s2 =	simm.s32 @!p0 $0x1C02  }
0x50: {  	[timem:s3], [sflag:s2] =	dma.local @!p0 [hbm:s0], s1  }
0x51: {  	s0 =	simm.s32 @!p0 $0x2  }
0x52: {  	_ =	swait.ge @!p0 [sflag:s0], s1  }
0x53: {  	s1 =	ssub.s32 @!p0 $0x0, s1;
	[sflag:s0] =	ssyncset.done @!p0 $0x0  }
0x54: {  	[sflag:s0] =	ssyncadd.s32 @!p0 s1  }
0x55: {  	[bflag:$0x3] =	sbarrier.arrive $0xFFFF  }
0x56: {  	_ =	shalt  }

// kernel: kernel.7.cloned.1.call-start
scs
__scs_entry_jumppad:
0x0: {  	(pc) =	sbr.rel $0x88, $3  }
0x1: {  	(tag) =	ssettag $0x0;
	lr =	simm.s32 $0x1  }
0x2: {  	[smem:$0x3F8E] =	sst lr;
	_ =	strace $0xD0000000  }
0x3: {  	_ = 	snop  }
0x4: {  	_ = 	snop  }
0x5: {  	_ = 	snop  }
0x6: {  	_ = 	snop  }
0x7: {  	_ = 	snop  }
__scs_overlays_trampoline_lowered:
0x8: {  	[smem:$0x3F9D] =	sst s0  }
0x9: {  	[smem:$0x3F9E] =	sst s1  }
0xa: {  	[smem:$0x3F9F] =	sst s2  }
0xb: {  	[smem:$0x3FA0] =	sst s3  }
0xc: {  	[smem:$0x3FA1] =	sst s4  }
0xd: {  	[smem:$0x3FA2] =	sst s5  }
0xe: {  	[smem:$0x3FA3] =	sst s6  }
0xf: {  	[smem:$0x3FA4] =	sst s7  }
0x10: {  	[smem:$0x3FA5] =	sst s8  }
0x11: {  	[smem:$0x3FA6] =	sst s9;
	s0 =	simm.s32 @!p0 $0x0  }
0x12: {  	s1 =	sld [smem:$0x3F8C];
	s0 =	simm.s32 @p0 $0x1  }
0x13: {  	[smem:$0x3FA7] =	sst s0;
	s0 =	simm.s32 @!p1 $0x0  }
0x14: {  	s2 =	sld [smem:$0x3F8B];
	s0 =	simm.s32 @p1 $0x1  }
0x15: {  	[smem:$0x3FA8] =	sst s0;
	s0 =	simm.s32 @!p2 $0x0  }
0x16: {  	s3 =	sld [smem:$0x3FDB];
	s0 =	simm.s32 @p2 $0x1  }
0x17: {  	s4 =	simm.s32 $0x1BF5;
	[smem:$0x3FAA] =	sst s0  }
0x18: {  	s0 =	sld [smem:$0x3F8D];
	_ =	swait.ge [sflag:s4], $0x0  }
0x19: {  	s7 =	sld [smem:$0x3F8E]  }
0x1a: {  	s8 =	sadd.s32 $0xFFFFE003, lr  }
0x1b: {  	s9 =	sadd.s32 $0xFFFFFEF7, lr;
	s5 =	simm.s32 $0xFFFFFFFF;
	p2 =	slt.u32 s8, $0xFFFFF086  }
0x1c: {  	p1 =	slt.u32 s9, $0xF7A;
	s5 =	simm.s32 @!p2 $0x0  }
0x1d: {  	s5 =	simm.s32 @p1 $0x1;
	p0 =	seq.s32 s7, s2  }
0x1e: {  	s7 =	smul.u32 @!p0 $0xF7A, s2;
	p2 =	seq.s32 @!p0 s5, $0x0  }
0x1f: {  	s9 =	smul.u32 $0xF7A, s1;
	s8 =	simm.s32 @!p0 $0x1BF5;
	p2 =	por !p2, p0  }
0x20: {  	[sflag:s8] =	ssyncset.s32 @!p0 $0xFFFFF086;
	s6 =	sadd.s32 @!p0 s3, s7;
	s7 =	simm.s32 @!p0 $0x108  }
0x21: {  	s3 =	sadd.s32 s3, s9;
	s6 =	sadd.s32 @!p0 $0x88, s6;
	s7 =	simm.s32 @p2 $0x1082  }
0x22: {  	[simem:s7], [sflag:s8] =	dma.local @!p0 [hbm:s6], $0xF7A  }
0x23: {  	s9 =	sor.u32 $0xD0000000, s2;
	s6 =	simm.s32 $0x108;
	_ =	swait.ge @!p0 [sflag:s8], $0x0  }
0x24: {  	s3 =	sadd.s32 $0x88, s3;
	s6 =	simm.s32 @!p1 $0x1082;
	[sflag:s4] =	ssyncset.s32 $0xFFFFF086  }
0x25: {  	[simem:s6], [sflag:s4] =	dma.local [hbm:s3], $0xF7A  }
0x26: {  	[smem:$0x3F8E] =	sst s1;
	(tag) =	ssettag s2;
	_ =	strace s9  }
0x27: {  	s1 =	sld [smem:$0x3F9E]  }
0x28: {  	s2 =	sld [smem:$0x3F9F]  }
0x29: {  	s4 =	sld [smem:$0x3FA1]  }
0x2a: {  	p0 =	seq.s32 s5, $0x0;
	s5 =	sld [smem:$0x3FA2]  }
0x2b: {  	s6 =	sld [smem:$0x3FA3]  }
0x2c: {  	s7 =	sld [smem:$0x3FA4]  }
0x2d: {  	s3 =	simm.s32 $0x108;
	s8 =	sld [smem:$0x3FA5]  }
0x2e: {  	s3 =	simm.s32 @!p0 $0x1082;
	s9 =	sld [smem:$0x3FA6]  }
0x2f: {  	lr =	sadd.s32 s0, s3;
	s0 =	sld [smem:$0x3F9D]  }
0x30: {  	s3 =	sld [smem:$0x3FA0]  }
0x31: {  	[smem:$0x3FA9] =	sst s10  }
0x32: {  	s10 =	sld [smem:$0x3FA7];
	_ =	sdelay $0x3  }
0x33: {  	p0 =	seq.s32 s10, $0x1;
	s10 =	sld [smem:$0x3FA9];
	_ =	sdelay $0x3  }
0x34: {  	[smem:$0x3FA9] =	sst s10  }
0x35: {  	s10 =	sld [smem:$0x3FA8];
	_ =	sdelay $0x3  }
0x36: {  	p1 =	seq.s32 s10, $0x1;
	s10 =	sld [smem:$0x3FA9];
	_ =	sdelay $0x3  }
0x37: {  	[smem:$0x3FA9] =	sst s10  }
0x38: {  	s10 =	sld [smem:$0x3FAA]  }
0x39: {  	_ = 	snop;
	(pc) =	sbr.ind lr, $3  }
0x3a: {  	_ = 	snop  }
0x3b: {  	_ = 	snop  }
0x3c: {  	p2 =	seq.s32 s10, $0x1;
	s10 =	sld [smem:$0x3FA9]  }
0x3d: {  	_ =	shalt  }
0x3e: {  	_ =	shalt  }
0x3f: {  	_ =	shalt  }
0x40: {  	_ =	shalt  }
0x41: {  	_ =	shalt  }
0x42: {  	_ =	shalt  }
0x43: {  	_ =	shalt  }
0x44: {  	_ =	shalt  }
0x45: {  	_ =	shalt  }
0x46: {  	_ =	shalt  }
0x47: {  	_ =	shalt  }
0x48: {  	_ =	shalt  }
0x49: {  	_ =	shalt  }
0x4a: {  	_ =	shalt  }
0x4b: {  	_ =	shalt  }
0x4c: {  	_ =	shalt  }
0x4d: {  	_ =	shalt  }
0x4e: {  	_ =	shalt  }
0x4f: {  	_ =	shalt  }
0x50: {  	_ =	shalt  }
0x51: {  	_ =	shalt  }
0x52: {  	_ =	shalt  }
0x53: {  	_ =	shalt  }
0x54: {  	_ =	shalt  }
0x55: {  	_ =	shalt  }
0x56: {  	_ =	shalt  }
0x57: {  	_ =	shalt  }
0x58: {  	_ =	shalt  }
0x59: {  	_ =	shalt  }
0x5a: {  	_ =	shalt  }
0x5b: {  	_ =	shalt  }
0x5c: {  	_ =	shalt  }
0x5d: {  	_ =	shalt  }
0x5e: {  	_ =	shalt  }
0x5f: {  	_ =	shalt  }
0x60: {  	_ =	shalt  }
0x61: {  	_ =	shalt  }
0x62: {  	_ =	shalt  }
0x63: {  	_ =	shalt  }
0x64: {  	_ =	shalt  }
0x65: {  	_ =	shalt  }
0x66: {  	_ =	shalt  }
0x67: {  	_ =	shalt  }
0x68: {  	_ =	shalt  }
0x69: {  	_ =	shalt  }
0x6a: {  	_ =	shalt  }
0x6b: {  	_ =	shalt  }
0x6c: {  	_ =	shalt  }
0x6d: {  	_ =	shalt  }
0x6e: {  	_ =	shalt  }
0x6f: {  	_ =	shalt  }
0x70: {  	_ =	shalt  }
0x71: {  	_ =	shalt  }
0x72: {  	_ =	shalt  }
0x73: {  	_ =	shalt  }
0x74: {  	_ =	shalt  }
0x75: {  	_ =	shalt  }
0x76: {  	_ =	shalt  }
0x77: {  	_ =	shalt  }
0x78: {  	_ =	shalt  }
0x79: {  	_ =	shalt  }
0x7a: {  	_ =	shalt  }
0x7b: {  	_ =	shalt  }
0x7c: {  	_ =	shalt  }
0x7d: {  	_ =	shalt  }
0x7e: {  	_ =	shalt  }
0x7f: {  	_ =	shalt  }
0x80: {  	_ =	shalt  }
0x81: {  	_ =	shalt  }
0x82: {  	_ =	shalt  }
0x83: {  	_ =	shalt  }
0x84: {  	_ =	shalt  }
0x85: {  	_ =	shalt  }
0x86: {  	_ =	shalt  }
0x87: {  	_ =	shalt  }
.Lfunc_end0:
.L_simem_size_0:
called_computation_lowered:
.L_overlay_start_0:
0x88: {  	s2 =	sld [smem:$0x3FD9]  }
0x89: {  	s3 =	sld [smem:$0x3FFE];
	_ =	sdelay $0x1  }
0x8a: {  	s1 =	srdreg.scid  }
0x8b: {  	s0 =	sand.u32 $0x1, s1  }
0x8c: {  	s17 =	sshll.u32 s0, $0xA;
	s2 =	sadd.s32 s3, s2  }
0x8d: {  	s2 =	sadd.s32 s2, s17  }
0x8e: {  	[smem:$0x3FB5] =	sst s2  }
0x8f: {  	_ = 	snop  }
0x90: {  	s2 =	sld [smem:$0x3FD0];
	(tm) =	ssettm $0x1  }
0x91: {  	s18 =	sld [smem:$0x3FFB];
	_ =	sdelay $0x3  }
0x92: {  	_ =	strace s18  }
0x93: {  	s3 =	sld [smem:$0x3FFC];
	_ =	sdelay $0x3  }
0x94: {  	_ =	strace s3  }
0x95: {  	s3 =	sld [smem:$0x3FFD];
	_ =	sdelay $0x3  }
0x96: {  	_ =	strace s3  }
0x97: {  	_ =	strace $0x8FFFFFFF  }
0x98: {  	s19 =	sld [smem:$0x3FDB];
	_ =	sdelay $0x1  }
0x99: {  	s4 =	simm.s32 $_scs_section_size  }
0x9a: {  	s5 =	simm.s32 $_size__tile_overlayer_lowered;
	s6 =	simm.s32 $_tile_overlayer_lowered  }
0x9b: {  	s22 =	simm.s32 $0x1BFF;
	s21 =	sshll.u32 s6, $0x1;
	s3 =	sadd.s32 s4, s19  }
0x9c: {  	s7 =	simm.s32 $0x0;
	s20 =	sshll.u32 s5, $0x1;
	s5 =	sadd.s32 s21, s3  }
0x9d: {  	[timem:s7], [sflag:s22] =	dma.local [hbm:s5], s20  }
0x9e: {  	_ =	swait.ge [sflag:s22], s20  }
0x9f: {  	s4 =	ssub.s32 $0x0, s20;
	[sflag:s22] =	ssyncset.done $0x0  }
0xa0: {  	[sflag:s22] =	ssyncadd.s32 s4;
	_ =	sdelay $0x1  }
0xa1: {  	s23 =	simm.s32 $0x1B8B  }
0xa2: {  	_ =	swait.ge [sflag:s23], $0x1  }
0xa3: {  	[sflag:s23] =	ssyncset.done $0x0  }
0xa4: {  	s25 =	simm.s32 $0x1B8E;
	s24 =	sld [smem:$0x3FFE];
	[sflag:s23] =	ssyncadd.s32 $0xFFFFFFFF  }
0xa5: {  	s26 =	simm.s32 $execute0_lowered;
	[smem:$0x3FD2] =	sst s25  }
0xa6: {  	s5 =	sshll.u32 s26, $0x1;
	_ =	strace $0x80000046;
	[dreg:$0x1] =	wrdreg $0xFFFFFFFF  }
0xa7: {  	s28 =	simm.s32 $_size_execute0_lowered;
	s3 =	sadd.s32 s3, s5;
	[dreg:$0x0] =	wrdreg $0x0  }
0xa8: {  	s5 =	sshll.u32 s28, $0x1;
	[dreg:$0x2] =	wrdreg s3  }
0xa9: {  	[dreg:$0x3] =	wrdreg s5  }
0xaa: {  	[dreg:$0x4] =	wrdreg $0xC0  }
0xab: {  	_ =	task [dreg:s7], $0x5FFFF  }
0xac: {  	[dreg:$0x1] =	wrdreg $0xFFFFFFFF  }
0xad: {  	[dreg:$0x0] =	wrdreg $0x60  }
0xae: {  	[dreg:$0x2] =	wrdreg s2  }
0xaf: {  	[dreg:$0x3] =	wrdreg s24  }
0xb0: {  	[dreg:$0x4] =	wrdreg $0x9  }
0xb1: {  	_ =	task.clear_ibuf [dreg:s7], $0x5FFFF;
	_ =	strace $0x90000046  }
0xb2: {  	s29 =	simm.s32 $0x9;
	_ =	strace $0x80000048  }
0xb3: {  	_ =	swait.ge [sflag:s29], $0x1  }
0xb4: {  	[sflag:s29] =	ssyncadd.s32 $0xFFFFFFFF  }
0xb5: {  	_ =	strace $0x90000048  }
0xb6: {  	_ =	sfence  }
0xb7: {  	s30 =	sld [smem:$0x0];
	_ =	sdelay $0x2  }
0xb8: {  	s31 =	sshll.u32 s1, $0xD;
	s1 =	sshrl.u32 s1, $0x2  }
0xb9: {  	s3 =	sand.u32 $0x4000, s31;
	s1 =	sadd.s32 s1, s30  }
0xba: {  	s0 =	sor.u32 s3, s0;
	s1 =	sshll.u32 s1, $0x11  }
0xbb: {  	s0 =	sor.u32 s1, s0  }
0xbc: {  	s0 =	sadd.s32 $0x8F2B, s0  }
0xbd: {  	[sflag:s0] =	ssyncadd.remote.s32 $0x1  }
0xbe: {  	_ =	sfence.sel $0xFFFF  }
0xbf: {  	[dreg:$0x0] =	wrdreg $0xFFFFFFFF;
	(pc) =	sbr.abs _section_cstart, $3  }
0xc0: {  	[dreg:$0x1] =	wrdreg $0xFFFFFFFF  }
0xc1: {  	_ =	task.clear_ibuf [dreg:s7], $0x2FFFF;
	_ =	strace $0x9FFFFFFF  }
0xc2: {  	(tm) =	ssettm $0x7FFFFFFF  }
0xc3: {  	_ =	shalt  }
tec
execute0_lowered:
.L_overlay_start_1:
0x0: {  	(tag) =	ssettag $0x1  }
0x1: {  	s2 =	rddreg [dreg:$0x0]  }
0x2: {  	s0 =	rddreg [dreg:$0x1]  }
0x3: {  	s1 =	srdreg.scid;
	s4 =	stileid.u32  }
0x4: {  	s3 =	simm.s32 $0x0;
	s10 =	simm.s32 $0x4;
	s11 =	simm.s32 $0x4000  }
0x5: {  	s12 =	simm.s32 $0x50;
	s18 =	simm.s32 $0x14800;
	s19 =	simm.s32 $0x100  }
0x6: {  	s20 =	simm.s32 $0xD000;
	s21 =	simm.s32 $0x4100;
	s22 =	simm.s32 $0x17000  }
0x7: {  	s23 =	simm.s32 $0x180;
	s24 =	simm.s32 $0xF800;
	s25 =	simm.s32 $0x4180  }
0x8: {  	s28 =	simm.s32 $0x1;
	s29 =	simm.s32 $0x2;
	s30 =	simm.s32 $0x3  }
0x9: {  	s1 =	sand.u32 $0x1, s1;
	s4 =	sshll.u32 s4, $0x1;
	[smem:$0x7FF] =	sst s3  }
0xa: {  	s31 =	simm.s32 $0x0;
	s6 =	sor.u32 s1, s4;
	_ =	strace $0x80000047  }
0xb: {  	s1 =	ssub.s32 $0x2, s1;
	s4 =	sadd.s32 $0x23C00, s0;
	s5 =	sshll.u32 s6, $0xB  }
0xc: {  	s7 =	sshrl.u32 s1, $0x1;
	s6 =	smul.u32 $0x2710, s6;
	s8 =	sadd.s32 s5, s0  }
0xd: {  	s5 =	sadd.s32 $0x4AE00, s0;
	s26 =	ssub.s32 s1, s7;
	s7 =	sadd.s32 $0x13C00, s8  }
0xe: {  	s8 =	sadd.s32 $0x3C00, s8;
	s9 =	smax.u32 s26, $0x1;
	s26 =	simm.s32 $0x19800  }
.LBB2_1:
0xf: {  	[tilespmem:s3], [sflag:$0x4] =	stream.linear.gather [hbm4b:s7+s3], $0x3E80, $0x38;
	[tilespmem:$0x1C000] =	vst v63  }
0x10: {  	_ =	swait.ge [sflag:s10], $0x3E80  }
0x11: {  	[sflag:s10] =	ssyncset.done $0x0  }
0x12: {  	[sflag:s10] =	ssyncadd.s32 $0xFFFFC180  }
0x13: {  	[tilespmem:s11], [sflag:$0x4] =	stream.linear.gather [hbm4b:s8+s3], $0x3E80, $0x38;
	[tilespmem:$0x1C000] =	vst v63  }
0x14: {  	_ =	swait.ge [sflag:s10], $0x3E80  }
0x15: {  	[sflag:s10] =	ssyncset.done $0x0  }
0x16: {  	s0 =	simm.s32 $0x8000;
	[sflag:s10] =	ssyncadd.s32 $0xFFFFC180  }
0x17: {  	[tilespmem:s0], [sflag:$0x1] =	stream.indirect.gather [hbm4b:s2+s12], $0x80, s3, s12, $0xb8;
	[tilespmem:$0x1C000] =	vst v63  }
0x18: {  	s15 =	simm.s32 $0x12000  }
0x19: {  	[tilespmem:s15], [sflag:$0x2] =	stream.indirect.gather [hbm4b:s4+s12], $0x80, s11, s12, $0xb8;
	[tilespmem:$0x1C000] =	vst v63  }
0x1a: {  	s16 =	simm.s32 $0x80;
	s1 =	simm.s32 $0xA800  }
0x1b: {  	[tilespmem:s1], [sflag:$0x1] =	stream.indirect.gather [hbm4b:s2+s12], $0x80, s16, s12, $0xb8;
	[tilespmem:$0x1C000] =	vst v63  }
0x1c: {  	s17 =	simm.s32 $0x4080  }
0x1d: {  	[tilespmem:s18], [sflag:$0x2] =	stream.indirect.gather [hbm4b:s4+s12], $0x80, s17, s12, $0xb8;
	[tilespmem:$0x1C000] =	vst v63  }
0x1e: {  	_ = 	snop  }
0x1f: {  	[tilespmem:s20], [sflag:$0x1] =	stream.indirect.gather [hbm4b:s2+s12], $0x80, s19, s12, $0xb8;
	[tilespmem:$0x1C000] =	vst v63  }
0x20: {  	_ = 	snop  }
0x21: {  	[tilespmem:s22], [sflag:$0x2] =	stream.indirect.gather [hbm4b:s4+s12], $0x80, s21, s12, $0xb8;
	[tilespmem:$0x1C000] =	vst v63  }
0x22: {  	_ = 	snop  }
0x23: {  	[tilespmem:s24], [sflag:$0x1] =	stream.indirect.gather [hbm4b:s2+s12], $0x80, s23, s12, $0xb8;
	[tilespmem:$0x1C000] =	vst v63  }
0x24: {  	s0 =	simm.s32 $0x0;
	s1 =	simm.s32 $0x0  }
0x25: {  	[tilespmem:s26], [sflag:$0x2] =	stream.indirect.gather [hbm4b:s4+s12], $0x80, s25, s12, $0xb8;
	[tilespmem:$0x1C000] =	vst v63  }
.LBB2_2:
0x26: {  	p0 =	slt.u32 s1, $0x2  }
0x27: {  	p1 =	sgt.u32 @!p0 s1, $0x7A  }
0x28: {  	p1 =	por p1, p0  }
0x29: {  	s14 =	sadd.s32 @!p1 $0x2, s1  }
0x2a: {  	s13 =	simm.s32 @!p0 $0x3;
	s15 =	sand.u32 @!p1 $0x3, s14  }
0x2b: {  	_ =	swait.ge @!p0 [sflag:s13], $0x2800;
	s15 =	smul.u32 @!p1 $0x2800, s15  }
0x2c: {  	[sflag:s13] =	ssyncset.done @!p0 $0x0;
	s16 =	simm.s32 @!p1 $0x50  }
0x2d: {  	[sflag:s13] =	ssyncadd.s32 @!p0 $0xFFFFD800;
	s14 =	sshll.u32 @!p1 s14, $0x7;
	s13 =	sor.u32 @!p1 $0x8000, s15  }
0x2e: {  	[tilespmem:s13], [sflag:$0x1] =	stream.indirect.gather @!p1 [hbm4b:s2+s16], $0x80, s14, s16, $0xb8;
	[tilespmem:$0x1C000] =	vst v63  }
0x2f: {  	s13 =	sadd.s32 @!p1 $0x12000, s15;
	s14 =	sadd.s32 @!p1 $0x4000, s14  }
0x30: {  	[tilespmem:s13], [sflag:$0x2] =	stream.indirect.gather @!p1 [hbm4b:s4+s16], $0x80, s14, s16, $0xb8;
	[tilespmem:$0x1C000] =	vst v63  }
0x31: {  	_ =	swait.ge [sflag:s28], $0x2800  }
0x32: {  	s15 =	sand.u32 $0x3, s0;
	[sflag:s28] =	ssyncset.done $0x0  }
0x33: {  	s13 =	smul.u32 $0xA000, s15;
	[sflag:s28] =	ssyncadd.s32 $0xFFFFD800  }
0x34: {  	_ =	swait.ge [sflag:s29], $0x2800  }
0x35: {  	s16 =	sshrl.u32 s13, $0x2;
	[sflag:s29] =	ssyncset.done $0x0  }
0x36: {  	s13 =	sor.u32 $0x8100, s16;
	[sflag:s29] =	ssyncadd.s32 $0xFFFFD800  }
0x37: {  	s14 =	sadd.s32 $0x12100, s16;
	v0 =	vld [tilespmem:s13+$0x80]  }
0x38: {  	v1 =	vld [tilespmem:s14+$0x80]  }
0x39: {  	v2 =	vld [tilespmem:s13+$0xFFFFFF80]  }
0x3a: {  	v3 =	vld [tilespmem:s14+$0xFFFFFF80]  }
0x3b: {  	v4 =	vld [tilespmem:s13+$0x0]  }
0x3c: {  	v5 =	vld [tilespmem:s14+$0x0]  }
0x3d: {  	v6 =	vld [tilespmem:s13+$0xFFFFFF00];
	v0 =	vadd.f32 v1, v0  }
0x3e: {  	v1 =	vld [tilespmem:s14+$0xFFFFFF00]  }
0x3f: {  	[tilespmem:s13+$0x80] =	vst v0;
	v0 =	vld [tilespmem:s13+$0x90]  }
0x40: {  	v2 =	vadd.f32 v3, v2;
	v3 =	vld [tilespmem:s14+$0x90]  }
0x41: {  	v7 =	vld [tilespmem:s13+$0xFFFFFF10]  }
0x42: {  	[tilespmem:s13+$0xFFFFFF80] =	vst v2;
	v2 =	vadd.f32 v5, v4;
	v4 =	vld [tilespmem:s13+$0xFFFFFF90]  }
0x43: {  	v5 =	vld [tilespmem:s14+$0xFFFFFF90];
	v1 =	vadd.f32 v1, v6  }
0x44: {  	[tilespmem:s13+$0x0] =	vst v2;
	v2 =	vld [tilespmem:s13+$0x10]  }
0x45: {  	v6 =	vld [tilespmem:s14+$0x10];
	[tilespmem:s13+$0xFFFFFF00] =	vst v1;
	v0 =	vadd.f32 v3, v0  }
0x46: {  	v1 =	vld [tilespmem:s14+$0xFFFFFF10]  }
0x47: {  	[tilespmem:s13+$0x90] =	vst v0;
	v0 =	vld [tilespmem:s13+$0xA0]  }
0x48: {  	v3 =	vadd.f32 v5, v4;
	v4 =	vld [tilespmem:s14+$0xA0]  }
0x49: {  	v5 =	vld [tilespmem:s13+$0xFFFFFF20]  }
0x4a: {  	[tilespmem:s13+$0xFFFFFF90] =	vst v3;
	v2 =	vadd.f32 v6, v2;
	v3 =	vld [tilespmem:s13+$0xFFFFFFA0]  }
0x4b: {  	v6 =	vld [tilespmem:s14+$0xFFFFFFA0];
	v1 =	vadd.f32 v1, v7  }
0x4c: {  	[tilespmem:s13+$0x10] =	vst v2;
	v2 =	vld [tilespmem:s13+$0x20]  }
0x4d: {  	v7 =	vld [tilespmem:s14+$0x20];
	[tilespmem:s13+$0xFFFFFF10] =	vst v1;
	v0 =	vadd.f32 v4, v0  }
0x4e: {  	v1 =	vld [tilespmem:s14+$0xFFFFFF20]  }
0x4f: {  	[tilespmem:s13+$0xA0] =	vst v0;
	v0 =	vld [tilespmem:s13+$0xB0]  }
0x50: {  	v3 =	vadd.f32 v6, v3;
	v4 =	vld [tilespmem:s14+$0xB0]  }
0x51: {  	v6 =	vld [tilespmem:s13+$0xFFFFFF30]  }
0x52: {  	[tilespmem:s13+$0xFFFFFFA0] =	vst v3;
	v2 =	vadd.f32 v7, v2;
	v3 =	vld [tilespmem:s13+$0xFFFFFFB0]  }
0x53: {  	v7 =	vld [tilespmem:s14+$0xFFFFFFB0];
	v1 =	vadd.f32 v1, v5  }
0x54: {  	[tilespmem:s13+$0x20] =	vst v2;
	v2 =	vld [tilespmem:s13+$0x30]  }
0x55: {  	v5 =	vld [tilespmem:s14+$0x30];
	[tilespmem:s13+$0xFFFFFF20] =	vst v1;
	v0 =	vadd.f32 v4, v0  }
0x56: {  	v1 =	vld [tilespmem:s14+$0xFFFFFF30]  }
0x57: {  	[tilespmem:s13+$0xB0] =	vst v0;
	v0 =	vld [tilespmem:s13+$0xC0]  }
0x58: {  	v3 =	vadd.f32 v7, v3;
	v4 =	vld [tilespmem:s14+$0xC0]  }
0x59: {  	v7 =	vld [tilespmem:s13+$0xFFFFFF40]  }
0x5a: {  	[tilespmem:s13+$0xFFFFFFB0] =	vst v3;
	v2 =	vadd.f32 v5, v2;
	v3 =	vld [tilespmem:s13+$0xFFFFFFC0]  }
0x5b: {  	v5 =	vld [tilespmem:s14+$0xFFFFFFC0];
	v1 =	vadd.f32 v1, v6  }
0x5c: {  	[tilespmem:s13+$0x30] =	vst v2;
	v2 =	vld [tilespmem:s13+$0x40]  }
0x5d: {  	v6 =	vld [tilespmem:s14+$0x40];
	[tilespmem:s13+$0xFFFFFF30] =	vst v1;
	v0 =	vadd.f32 v4, v0  }
0x5e: {  	v1 =	vld [tilespmem:s14+$0xFFFFFF40]  }
0x5f: {  	[tilespmem:s13+$0xC0] =	vst v0;
	v0 =	vld [tilespmem:s13+$0xD0]  }
0x60: {  	v3 =	vadd.f32 v5, v3;
	v4 =	vld [tilespmem:s14+$0xD0]  }
0x61: {  	v5 =	vld [tilespmem:s13+$0xFFFFFF50]  }
0x62: {  	[tilespmem:s13+$0xFFFFFFC0] =	vst v3;
	v2 =	vadd.f32 v6, v2;
	v3 =	vld [tilespmem:s13+$0xFFFFFFD0]  }
0x63: {  	v6 =	vld [tilespmem:s14+$0xFFFFFFD0];
	v1 =	vadd.f32 v1, v7  }
0x64: {  	[tilespmem:s13+$0x40] =	vst v2;
	v2 =	vld [tilespmem:s13+$0x50]  }
0x65: {  	v7 =	vld [tilespmem:s14+$0x50];
	[tilespmem:s13+$0xFFFFFF40] =	vst v1;
	v0 =	vadd.f32 v4, v0  }
0x66: {  	v1 =	vld [tilespmem:s14+$0xFFFFFF50]  }
0x67: {  	[tilespmem:s13+$0xD0] =	vst v0;
	v0 =	vld [tilespmem:s13+$0xE0]  }
0x68: {  	v3 =	vadd.f32 v6, v3;
	v4 =	vld [tilespmem:s14+$0xE0]  }
0x69: {  	v6 =	vld [tilespmem:s13+$0xFFFFFF60]  }
0x6a: {  	[tilespmem:s13+$0xFFFFFFD0] =	vst v3;
	v2 =	vadd.f32 v7, v2;
	v3 =	vld [tilespmem:s13+$0xFFFFFFE0]  }
0x6b: {  	v7 =	vld [tilespmem:s14+$0xFFFFFFE0];
	v1 =	vadd.f32 v1, v5  }
0x6c: {  	[tilespmem:s13+$0x50] =	vst v2;
	v2 =	vld [tilespmem:s13+$0x60]  }
0x6d: {  	v5 =	vld [tilespmem:s14+$0x60];
	[tilespmem:s13+$0xFFFFFF50] =	vst v1;
	v0 =	vadd.f32 v4, v0  }
0x6e: {  	v4 =	vld [tilespmem:s14+$0xFFFFFF60]  }
0x6f: {  	v8 =	vld [tilespmem:s13+$0xF0];
	[tilespmem:s13+$0xE0] =	vst v0  }
0x70: {  	v1 =	vadd.f32 v7, v3;
	v7 =	vld [tilespmem:s14+$0xF0]  }
0x71: {  	v0 =	vld [tilespmem:s13+$0xFFFFFF70]  }
0x72: {  	[tilespmem:s13+$0xFFFFFFE0] =	vst v1;
	v2 =	vadd.f32 v5, v2;
	v1 =	vld [tilespmem:s13+$0xFFFFFFF0]  }
0x73: {  	v3 =	vld [tilespmem:s14+$0xFFFFFFF0];
	v4 =	vadd.f32 v4, v6  }
0x74: {  	[tilespmem:s13+$0x60] =	vst v2;
	v2 =	vld [tilespmem:s13+$0x70]  }
0x75: {  	s17 =	sand.u32 $0x3, s1;
	[tilespmem:s13+$0xFFFFFF60] =	vst v4;
	v4 =	vld [tilespmem:s14+$0x70];
	v6 =	vadd.f32 v7, v8  }
0x76: {  	s15 =	smul.u32 $0x2800, s17;
	s16 =	simm.s32 $0x0;
	s17 =	sadd.s32 $0x200, s13;
	v5 =	vld [tilespmem:s14+$0xFFFFFF70]  }
.LBB2_3:
0x77: {  	v7 =	vld [tilespmem:s17+$0x80];
	[tilespmem:s13+$0xF0] =	vst v6;
	s14 =	sadd.s32 $0x200, s14  }
0x78: {  	s16 =	sadd.s32 $0x4, s16;
	v6 =	vld [tilespmem:s14+$0x80];
	v1 =	vadd.f32 v3, v1  }
0x79: {  	p0 =	slt.u32 s16, $0x4C;
	v3 =	vld [tilespmem:s14+$0xFFFFFF00]  }
0x7a: {  	v8 =	vld [tilespmem:s17+$0xFFFFFF80];
	[tilespmem:s13+$0xFFFFFFF0] =	vst v1;
	v1 =	vadd.f32 v4, v2  }
0x7b: {  	v2 =	vld [tilespmem:s14+$0xFFFFFF80];
	v0 =	vadd.f32 v5, v0  }
0x7c: {  	v4 =	vld [tilespmem:s17+$0x0];
	[tilespmem:s13+$0x70] =	vst v1  }
0x7d: {  	v1 =	vld [tilespmem:s14+$0x0];
	v5 =	vadd.f32 v6, v7;
	[tilespmem:s13+$0xFFFFFF70] =	vst v0;
	s13 =	smov.u32 s17  }
0x7e: {  	v0 =	vld [tilespmem:s17+$0xFFFFFF00]  }
0x7f: {  	[tilespmem:s17+$0x80] =	vst v5;
	v5 =	vld [tilespmem:s17+$0x90]  }
0x80: {  	v2 =	vadd.f32 v2, v8;
	v6 =	vld [tilespmem:s14+$0x90]  }
0x81: {  	v7 =	vld [tilespmem:s17+$0xFFFFFF10]  }
0x82: {  	[tilespmem:s17+$0xFFFFFF80] =	vst v2;
	v2 =	vld [tilespmem:s17+$0xFFFFFF90];
	v1 =	vadd.f32 v1, v4  }
0x83: {  	v0 =	vadd.f32 v3, v0;
	v3 =	vld [tilespmem:s14+$0xFFFFFF90]  }
0x84: {  	[tilespmem:s17+$0x0] =	vst v1;
	v1 =	vld [tilespmem:s17+$0x10]  }
0x85: {  	[tilespmem:s17+$0xFFFFFF00] =	vst v0;
	v0 =	vld [tilespmem:s14+$0x10];
	v4 =	vadd.f32 v6, v5  }
0x86: {  	v5 =	vld [tilespmem:s14+$0xFFFFFF10]  }
0x87: {  	[tilespmem:s17+$0x90] =	vst v4;
	v4 =	vld [tilespmem:s17+$0xA0]  }
0x88: {  	v2 =	vadd.f32 v3, v2;
	v3 =	vld [tilespmem:s14+$0xA0]  }
0x89: {  	v6 =	vld [tilespmem:s17+$0xFFFFFF20]  }
0x8a: {  	[tilespmem:s17+$0xFFFFFF90] =	vst v2;
	v2 =	vld [tilespmem:s17+$0xFFFFFFA0];
	v0 =	vadd.f32 v0, v1  }
0x8b: {  	v1 =	vadd.f32 v5, v7;
	v5 =	vld [tilespmem:s14+$0xFFFFFFA0]  }
0x8c: {  	[tilespmem:s17+$0x10] =	vst v0;
	v0 =	vld [tilespmem:s17+$0x20]  }
0x8d: {  	[tilespmem:s17+$0xFFFFFF10] =	vst v1;
	v1 =	vld [tilespmem:s14+$0x20];
	v3 =	vadd.f32 v3, v4  }
0x8e: {  	v4 =	vld [tilespmem:s14+$0xFFFFFF20]  }
0x8f: {  	[tilespmem:s17+$0xA0] =	vst v3;
	v3 =	vld [tilespmem:s17+$0xB0]  }
0x90: {  	v2 =	vadd.f32 v5, v2;
	v5 =	vld [tilespmem:s14+$0xB0]  }
0x91: {  	v7 =	vld [tilespmem:s17+$0xFFFFFF30]  }
0x92: {  	[tilespmem:s17+$0xFFFFFFA0] =	vst v2;
	v2 =	vld [tilespmem:s17+$0xFFFFFFB0];
	v0 =	vadd.f32 v1, v0  }
0x93: {  	v1 =	vadd.f32 v4, v6;
	v4 =	vld [tilespmem:s14+$0xFFFFFFB0]  }
0x94: {  	[tilespmem:s17+$0x20] =	vst v0;
	v0 =	vld [tilespmem:s17+$0x30]  }
0x95: {  	[tilespmem:s17+$0xFFFFFF20] =	vst v1;
	v1 =	vld [tilespmem:s14+$0x30];
	v3 =	vadd.f32 v5, v3  }
0x96: {  	v5 =	vld [tilespmem:s14+$0xFFFFFF30]  }
0x97: {  	[tilespmem:s17+$0xB0] =	vst v3;
	v3 =	vld [tilespmem:s17+$0xC0]  }
0x98: {  	v2 =	vadd.f32 v4, v2;
	v4 =	vld [tilespmem:s14+$0xC0]  }
0x99: {  	v6 =	vld [tilespmem:s17+$0xFFFFFF40]  }
0x9a: {  	[tilespmem:s17+$0xFFFFFFB0] =	vst v2;
	v2 =	vld [tilespmem:s17+$0xFFFFFFC0];
	v0 =	vadd.f32 v1, v0  }
0x9b: {  	v1 =	vadd.f32 v5, v7;
	v5 =	vld [tilespmem:s14+$0xFFFFFFC0]  }
0x9c: {  	[tilespmem:s17+$0x30] =	vst v0;
	v0 =	vld [tilespmem:s17+$0x40]  }
0x9d: {  	[tilespmem:s17+$0xFFFFFF30] =	vst v1;
	v1 =	vld [tilespmem:s14+$0x40];
	v3 =	vadd.f32 v4, v3  }
0x9e: {  	v4 =	vld [tilespmem:s14+$0xFFFFFF40]  }
0x9f: {  	[tilespmem:s17+$0xC0] =	vst v3;
	v3 =	vld [tilespmem:s17+$0xD0]  }
0xa0: {  	v2 =	vadd.f32 v5, v2;
	v5 =	vld [tilespmem:s14+$0xD0]  }
0xa1: {  	v7 =	vld [tilespmem:s17+$0xFFFFFF50]  }
0xa2: {  	[tilespmem:s17+$0xFFFFFFC0] =	vst v2;
	v2 =	vld [tilespmem:s17+$0xFFFFFFD0];
	v0 =	vadd.f32 v1, v0  }
0xa3: {  	v1 =	vadd.f32 v4, v6;
	v4 =	vld [tilespmem:s14+$0xFFFFFFD0]  }
0xa4: {  	[tilespmem:s17+$0x40] =	vst v0;
	v0 =	vld [tilespmem:s17+$0x50]  }
0xa5: {  	[tilespmem:s17+$0xFFFFFF40] =	vst v1;
	v1 =	vld [tilespmem:s14+$0x50];
	v3 =	vadd.f32 v5, v3  }
0xa6: {  	v5 =	vld [tilespmem:s14+$0xFFFFFF50]  }
0xa7: {  	[tilespmem:s17+$0xD0] =	vst v3;
	v3 =	vld [tilespmem:s17+$0xE0]  }
0xa8: {  	v2 =	vadd.f32 v4, v2;
	v4 =	vld [tilespmem:s14+$0xE0]  }
0xa9: {  	v6 =	vld [tilespmem:s17+$0xFFFFFF60]  }
0xaa: {  	[tilespmem:s17+$0xFFFFFFD0] =	vst v2;
	v2 =	vld [tilespmem:s17+$0xFFFFFFE0];
	v0 =	vadd.f32 v1, v0  }
0xab: {  	v1 =	vadd.f32 v5, v7;
	v5 =	vld [tilespmem:s14+$0xFFFFFFE0]  }
0xac: {  	[tilespmem:s17+$0x50] =	vst v0;
	v7 =	vld [tilespmem:s17+$0x60]  }
0xad: {  	[tilespmem:s17+$0xFFFFFF50] =	vst v1;
	v8 =	vld [tilespmem:s14+$0x60];
	v0 =	vadd.f32 v4, v3  }
0xae: {  	v3 =	vld [tilespmem:s14+$0xFFFFFF60]  }
0xaf: {  	[tilespmem:s17+$0xE0] =	vst v0;
	v9 =	vld [tilespmem:s17+$0xF0]  }
0xb0: {  	v1 =	vadd.f32 v5, v2;
	v5 =	vld [tilespmem:s14+$0xF0]  }
0xb1: {  	v0 =	vld [tilespmem:s17+$0xFFFFFF70]  }
.Ltmp0:
0xb2: {  	[tilespmem:s17+$0xFFFFFFE0] =	vst v1;
	v1 =	vld [tilespmem:s17+$0xFFFFFFF0];
	v2 =	vadd.f32 v8, v7;
	(pc) =	sbr.rel @p0 .LBB2_3-.Ltmp0, $4  }
0xb3: {  	v4 =	vadd.f32 v3, v6;
	v3 =	vld [tilespmem:s14+$0xFFFFFFF0]  }
0xb4: {  	[tilespmem:s17+$0x60] =	vst v2;
	v2 =	vld [tilespmem:s17+$0x70]  }
0xb5: {  	[tilespmem:s17+$0xFFFFFF60] =	vst v4;
	v4 =	vld [tilespmem:s14+$0x70];
	v6 =	vadd.f32 v5, v9  }
0xb6: {  	s17 =	sadd.s32 $0x200, s17;
	v5 =	vld [tilespmem:s14+$0xFFFFFF70]  }
0xb7: {  	_ = 	snop  }
0xb8: {  	s14 =	smul.u32 $0x50, s1;
	s1 =	sadd.s32 $0x1, s1  }
0xb9: {  	v1 =	vadd.f32 v3, v1;
	p0 =	sne.s32 s1, $0x7D  }
.Ltmp1:
0xba: {  	[tilespmem:s13+$0xF0] =	vst v6;
	v2 =	vadd.f32 v4, v2;
	(pc) =	sbr.rel @p0 .LBB2_2-.Ltmp1, $4  }
0xbb: {  	s14 =	sadd.s32 s6, s14;
	[tilespmem:s13+$0xFFFFFFF0] =	vst v1;
	v0 =	vadd.f32 v5, v0  }
0xbc: {  	s14 =	sshll.u32 s14, $0x4;
	[tilespmem:s13+$0x70] =	vst v2  }
0xbd: {  	s17 =	sor.u32 $0x8000, s15;
	s0 =	sadd.s32 $0x1, s0;
	s14 =	sadd.s32 s5, s14;
	[tilespmem:s13+$0xFFFFFF70] =	vst v0  }
0xbe: {  	[hbm4b:s14+s3] =	stream.linear.scatter [tilespmem:s17], [sflag:$0x3], $0x2800, $0x38;
	[tilespmem:$0x1C000] =	vst v63  }
0xbf: {  	s31 =	sadd.s32 $0x1, s31  }
0xc0: {  	_ =	swait.ge [sflag:s30], $0x2800;
	p0 =	sne.s32 s31, s9  }
.Ltmp2:
0xc1: {  	[sflag:s30] =	ssyncset.done $0x0;
	(pc) =	sbr.rel @p0 .LBB2_1-.Ltmp2, $4  }
0xc2: {  	[sflag:s30] =	ssyncadd.s32 $0xFFFFD800  }
0xc3: {  	_ =	swait.ge [sflag:s30], $0x2800  }
0xc4: {  	[sflag:s30] =	ssyncset.done $0x0  }
0xc5: {  	[sflag:s30] =	ssyncadd.s32 $0xFFFFD800  }
0xc6: {  	_ =	sfence.sel $0x180000  }
0xc7: {  	[bflag:$0x0] =	sbarrier.arrive $0xFFFF  }
0xc8: {  	_ =	strace $0x90000047  }
0xc9: {  	s0 =	stileid.u32;
	[bflag:$0x2] =	sbarrier.arrive $0xFFFF  }
0xca: {  	p0 =	sne.s32 s0, $0x0;
	s0 =	rddreg [dreg:$0x2]  }
0xcb: {  	s0 =	sadd.s32 @!p0 $0x100000, s0  }
0xcc: {  	[sflag:s0] =	ssyncadd.tile.s32 @!p0 $0x1;
	_ =	shalt  }
.Lfunc_end2:
_tile_overlayer_lowered:
.L_overlay_start_2:
0xcd: {  	(tag) =	ssettag $0x2  }
0xce: {  	s0 =	rddreg [dreg:$0x0];
	s2 =	stileid.u32  }
0xcf: {  	s1 =	rddreg [dreg:$0x1];
	p0 =	sne.s32 s2, $0x0  }
0xd0: {  	s3 =	rddreg [dreg:$0x2];
	[bflag:$0x3] =	sbarrier.arrive $0xFFFF;
	s2 =	simm.s32 @!p0 $0x1C04  }
0xd1: {  	[timem:s3], [sflag:s2] =	dma.local @!p0 [hbm:s0], s1  }
0xd2: {  	s0 =	simm.s32 @!p0 $0x4  }
0xd3: {  	_ =	swait.ge @!p0 [sflag:s0], s1  }
0xd4: {  	s1 =	ssub.s32 @!p0 $0x0, s1;
	[sflag:s0] =	ssyncset.done @!p0 $0x0  }
0xd5: {  	[sflag:s0] =	ssyncadd.s32 @!p0 s1  }
0xd6: {  	[bflag:$0x3] =	sbarrier.arrive $0xFFFF  }
0xd7: {  	_ =	shalt  }

</sc_bundles>
